<compile_context>
chip_gen: v7x
topology: tpu7x:2x2x1
jax: 0.10.2.dev20260603
libtpu: 0.0.44.dev20260713+nightly
codegen_flags: <defaults>
</compile_context>

<pallas_src>
import functools
import numpy as np
import jax
import jax.numpy as jnp
from jax import lax
from jax.experimental import pallas as pl
from jax.experimental.pallas import tpu as pltpu
from jax.experimental.pallas import tpu_sc as plsc

_VOCAB = 100000
_D = 1024
_SEQ = 2048
_B = 4

_NC = 2
_NS = 16
_NW = _NC * _NS
_ROWS = _SEQ * _B
_RPW = _ROWS // _NW
_CH = 32
_NCH = _RPW // _CH
_SPC = _CH // _B
_LANES = 16


def _sinusoidal_pe(max_len, d):
    position = np.arange(max_len, dtype=np.float32)[:, None]
    div_term = np.exp(np.arange(0, d, 2).astype(np.float32) * -(np.log(10000.0) / d))
    enc = np.zeros((max_len, d), dtype=np.float32)
    enc[:, 0::2] = np.sin(position * div_term)
    enc[:, 1::2] = np.cos(position * div_term)
    return enc


_PE_NP = _sinusoidal_pe(_SEQ, _D)


def _body(table_hbm, idx_hbm, pe_hbm, out_hbm,
          idx_v, rows0, rows1, pe0, pe1, gsem0, gsem1, psem0, psem1,
          osem0, osem1):
    wid = lax.axis_index("s") * _NC + lax.axis_index("c")
    rows = (rows0, rows1)
    pes = (pe0, pe1)
    gsems = (gsem0, gsem1)
    psems = (psem0, psem1)
    osems = (osem0, osem1)

    pltpu.sync_copy(idx_hbm.at[pl.ds(wid * _NCH, _NCH)], idx_v)

    def start_fetch(g, b):
        pltpu.async_copy(table_hbm.at[idx_v.at[g]], rows[b], gsems[b])
        seq0 = wid * (_RPW // _B) + g * _SPC
        pltpu.async_copy(pe_hbm.at[pl.ds(seq0, _SPC)], pes[b], psems[b])

    def wait_fetch(b):
        pltpu.make_async_copy(table_hbm.at[idx_v.at[0]], rows[b], gsems[b]).wait()
        pltpu.make_async_copy(pe_hbm.at[pl.ds(0, _SPC)], pes[b], psems[b]).wait()

    def wait_store(b):
        pltpu.make_async_copy(rows[b], out_hbm.at[pl.ds(0, _CH)], osems[b]).wait()

    start_fetch(0, 0)

    def outer(c0, carry):
        for b in range(2):
            g = c0 * 2 + b
            nb = 1 - b
            wait_fetch(b)

            @pl.when(g + 1 < _NCH)
            def _prefetch():
                @pl.when(g >= 1)
                def _drain():
                    wait_store(nb)
                start_fetch(g + 1, nb)

            rows_b = rows[b]
            pe_b = pes[b]

            def seq_add(s, carry2):
                def vec_add(v4, carry3):
                    for vv in range(4):
                        col = (v4 * 4 + vv) * _LANES
                        pe_vec = pe_b[s, pl.ds(col, _LANES)]
                        for bb in range(_B):
                            plsc.addupdate(
                                rows_b.at[s * _B + bb, pl.ds(col, _LANES)],
                                pe_vec)
                    return carry3
                return lax.fori_loop(0, _D // (4 * _LANES), vec_add, carry2)

            lax.fori_loop(0, _SPC, seq_add, None)

            pltpu.async_copy(
                rows_b, out_hbm.at[pl.ds(wid * _RPW + g * _CH, _CH)], osems[b])
        return carry

    lax.fori_loop(0, _NCH // 2, outer, None)
    wait_store(0)
    wait_store(1)


@jax.jit
def kernel(x, token_table):
    idx2d = x.reshape(_NW * _NCH, _CH)
    mesh = plsc.VectorSubcoreMesh(core_axis_name="c", subcore_axis_name="s")
    k = pl.kernel(
        _body,
        mesh=mesh,
        out_type=jax.ShapeDtypeStruct((_ROWS, _D), jnp.float32),
        scratch_types=[
            pltpu.VMEM((_NCH, _CH), jnp.int32),
            pltpu.VMEM((_CH, _D), jnp.float32),
            pltpu.VMEM((_CH, _D), jnp.float32),
            pltpu.VMEM((_SPC, _D), jnp.float32),
            pltpu.VMEM((_SPC, _D), jnp.float32),
            pltpu.SemaphoreType.DMA,
            pltpu.SemaphoreType.DMA,
            pltpu.SemaphoreType.DMA,
            pltpu.SemaphoreType.DMA,
            pltpu.SemaphoreType.DMA,
            pltpu.SemaphoreType.DMA,
        ],
    )
    out = k(token_table, idx2d, jnp.asarray(_PE_NP))
    return out.reshape(_SEQ, _B, _D)

# --- scband reference (transcript-rebuilt; emitter-appended) ---
"""Pipeline reference for scband-transformer-embedding-75634374082781 (READ-ONLY COPY).

The authoritative reference and input builder live on the scoring server;
editing this copy changes nothing except your own understanding.
"""

import jax, jax.numpy as jnp
import numpy as np

VOCAB = 100000
D = 1024
MAX_LEN = 2048
PAD = 0
SEQ = 2048
B = 4


def _sinusoidal_pe(max_len, d):
    position = np.arange(max_len, dtype=np.float32)[:, None]
    div_term = np.exp(np.arange(0, d, 2).astype(np.float32) * -(np.log(10000.0) / d))
    enc = np.zeros((max_len, d), dtype=np.float32)
    enc[:, 0::2] = np.sin(position * div_term)
    enc[:, 1::2] = np.cos(position * div_term)
    # matches torch: unsqueeze(0).transpose(0,1) -> [max_len, 1, d]
    return jnp.asarray(enc[:, None, :])


def setup_inputs(seed: int = 0) -> dict:
    key = jax.random.key(seed)
    k1, k2 = jax.random.split(key)
    x = jax.random.randint(k1, (SEQ, B), 0, VOCAB, dtype=jnp.int32)
    token_table = jax.random.normal(k2, (VOCAB, D), dtype=jnp.float32)
    # nn.Embedding with padding_idx: padding row initialized to zeros
    token_table = token_table.at[PAD].set(0.0)
    return {"x": x, "token_table": token_table}


def reference(x, token_table):
    # token embedding lookup (gather)
    emb = jnp.take(token_table, x, axis=0)  # [SEQ, B, D]
    # sinusoidal positional encoding (fixed buffer)
    pe = _sinusoidal_pe(MAX_LEN, D)
    out = emb + pe[: x.shape[0], :]
    # dropout_prob=0.0 -> Identity
    return out

if __name__ == "__main__":
    import jax
    _d = setup_inputs()
    print(jax.jit(kernel)(*tuple(_d.values())))

</pallas_src>

<mosaic_0001>
#map = affine_map<(d0, d1) -> (0, 0)>
module attributes {stable_mosaic.version = 14 : i64} {
  func.func @_body(%arg0: i32, %arg1: i32, %arg2: memref<100000x1024xf32, #tpu.memory_space<hbm>>, %arg3: memref<256x32xi32, #tpu.memory_space<hbm>>, %arg4: memref<2048x1024xf32, #tpu.memory_space<hbm>>, %arg5: memref<8192x1024xf32, #tpu.memory_space<hbm>>, %arg6: memref<8x32xi32, #tpu.memory_space<vmem>>, %arg7: memref<32x1024xf32, #tpu.memory_space<vmem>>, %arg8: memref<32x1024xf32, #tpu.memory_space<vmem>>, %arg9: memref<8x1024xf32, #tpu.memory_space<vmem>>, %arg10: memref<8x1024xf32, #tpu.memory_space<vmem>>, %arg11: memref<!tpu.dma_semaphore, #tpu.memory_space<semaphore_mem>>, %arg12: memref<!tpu.dma_semaphore, #tpu.memory_space<semaphore_mem>>, %arg13: memref<!tpu.dma_semaphore, #tpu.memory_space<semaphore_mem>>, %arg14: memref<!tpu.dma_semaphore, #tpu.memory_space<semaphore_mem>>, %arg15: memref<!tpu.dma_semaphore, #tpu.memory_space<semaphore_mem>>, %arg16: memref<!tpu.dma_semaphore, #tpu.memory_space<semaphore_mem>>) attributes {dimension_semantics = [#tpu.dimension_semantics<core_parallel>, #tpu.dimension_semantics<subcore_parallel>], iteration_bounds = array<i64: 2, 16>, scalar_prefetch = 0 : i64, scratch_operands = 11 : i64, tpu.core_type = #tpu.core_type<sc_vector_subcore>, window_params = [{transform_indices = #map}, {transform_indices = #map}, {transform_indices = #map}, {transform_indices = #map}]} {
    %mul3A = arith.constant 2 : i32
    %mul3A_0 = arith.muli %arg1, %mul3A : i32
    %add3A = arith.addi %mul3A_0, %arg0 : i32
    %mul3A_1 = arith.constant 8 : i32
    %mul3A_2 = arith.muli %add3A, %mul3A_1 : i32
    "tpu.region"() ({
      %run_scoped3A = tpu.sem_alloc : memref<!tpu.dma_semaphore, #tpu.memory_space<semaphore_mem>>
      %dma_start3A_32 = arith.constant 0 : i32
      %dma_start3A_33 = tpu.memref_slice %arg3[%mul3A_2, %dma_start3A_32] : memref<256x32xi32, #tpu.memory_space<hbm>> -> memref<8x32xi32, #tpu.memory_space<hbm>>
      %dma_start3A_34 = arith.constant 0 : i32
      %dma_start3A_35 = tpu.memref_slice %arg3[%mul3A_2, %dma_start3A_34] : memref<256x32xi32, #tpu.memory_space<hbm>> -> memref<8x32xi32, #tpu.memory_space<hbm>>
      tpu.enqueue_dma source(%dma_start3A_35 : memref<8x32xi32, #tpu.memory_space<hbm>>) target(%arg6 : memref<8x32xi32, #tpu.memory_space<vmem>>) target_semaphore(%run_scoped3A : memref<!tpu.dma_semaphore, #tpu.memory_space<semaphore_mem>>)
      %dma_wait3A_36 = arith.constant 0 : i32
      %dma_wait3A_37 = tpu.memref_slice %arg3[%mul3A_2, %dma_wait3A_36] : memref<256x32xi32, #tpu.memory_space<hbm>> -> memref<8x32xi32, #tpu.memory_space<hbm>>
      %dma_wait3A_38 = arith.constant 0 : i32
      %dma_wait3A_39 = tpu.memref_slice %arg3[%mul3A_2, %dma_wait3A_38] : memref<256x32xi32, #tpu.memory_space<hbm>> -> memref<8x32xi32, #tpu.memory_space<hbm>>
      tpu.wait_dma2 semaphore(%run_scoped3A : memref<!tpu.dma_semaphore, #tpu.memory_space<semaphore_mem>>) src(%dma_wait3A_39 : memref<8x32xi32, #tpu.memory_space<hbm>>) dst(%arg6 : memref<8x32xi32, #tpu.memory_space<vmem>>)
      tpu.yield
    }) : () -> ()
    %dma_start3A = arith.constant 0 : i32
    %dma_start3A_3 = arith.constant 0 : i32
    %dma_start3A_4 = tpu.memref_slice %arg6[%dma_start3A, %dma_start3A_3] : memref<8x32xi32, #tpu.memory_space<vmem>> -> memref<1x32xi32, #tpu.memory_space<vmem>>
    %dma_start3A_5 = tpu.memref_squeeze %dma_start3A_4 : memref<1x32xi32, #tpu.memory_space<vmem>> -> memref<32xi32, #tpu.memory_space<vmem>>
    %dma_start3A_6 = arith.constant 0 : i32
    %dma_start3A_7 = arith.constant 0 : i32
    %dma_start3A_8 = tpu.memref_slice %arg2[%dma_start3A_6, %dma_start3A_7] : memref<100000x1024xf32, #tpu.memory_space<hbm>> -> memref<100000x1024xf32, #tpu.memory_space<hbm>>
    tpu.enqueue_indirect_dma source(%dma_start3A_8 : memref<100000x1024xf32, #tpu.memory_space<hbm>>) target(%arg7 : memref<32x1024xf32, #tpu.memory_space<vmem>>) offsets(%dma_start3A_5 : memref<32xi32, #tpu.memory_space<vmem>>) semaphore(%arg11 : memref<!tpu.dma_semaphore, #tpu.memory_space<semaphore_mem>>)
    %mul3A_9 = arith.constant 64 : i32
    %mul3A_10 = arith.muli %add3A, %mul3A_9 : i32
    %add3A_11 = arith.constant 0 : i32
    %add3A_12 = arith.addi %mul3A_10, %add3A_11 : i32
    %dma_start3A_13 = arith.constant 0 : i32
    %dma_start3A_14 = tpu.memref_slice %arg4[%add3A_12, %dma_start3A_13] : memref<2048x1024xf32, #tpu.memory_space<hbm>> -> memref<8x1024xf32, #tpu.memory_space<hbm>>
    %dma_start3A_15 = arith.constant 0 : i32
    %dma_start3A_16 = tpu.memref_slice %arg4[%add3A_12, %dma_start3A_15] : memref<2048x1024xf32, #tpu.memory_space<hbm>> -> memref<8x1024xf32, #tpu.memory_space<hbm>>
    tpu.enqueue_dma source(%dma_start3A_16 : memref<8x1024xf32, #tpu.memory_space<hbm>>) target(%arg9 : memref<8x1024xf32, #tpu.memory_space<vmem>>) target_semaphore(%arg13 : memref<!tpu.dma_semaphore, #tpu.memory_space<semaphore_mem>>)
    %scan3A = arith.constant 0 : i32
    %scan3A_17 = arith.constant 4 : i32
    %scan3A_18 = arith.addi %scan3A, %scan3A_17 : i32
    %scan3A_19 = arith.constant 1 : i32
    scf.for %scan3A_32 = %scan3A to %scan3A_18 step %scan3A_19  : i32 {
      %mul3A_33 = arith.constant 2 : i32
      %mul3A_34 = arith.muli %scan3A_32, %mul3A_33 : i32
      %add3A_35 = arith.constant 0 : i32
      %add3A_36 = arith.addi %mul3A_34, %add3A_35 : i32
      %dma_wait3A_37 = arith.constant 0 : i32
      %dma_wait3A_38 = arith.constant 0 : i32
      %dma_wait3A_39 = tpu.memref_slice %arg6[%dma_wait3A_37, %dma_wait3A_38] : memref<8x32xi32, #tpu.memory_space<vmem>> -> memref<1x32xi32, #tpu.memory_space<vmem>>
      %dma_wait3A_40 = tpu.memref_squeeze %dma_wait3A_39 : memref<1x32xi32, #tpu.memory_space<vmem>> -> memref<32xi32, #tpu.memory_space<vmem>>
      %dma_wait3A_41 = arith.constant 0 : i32
      %dma_wait3A_42 = arith.constant 0 : i32
      %dma_wait3A_43 = tpu.memref_slice %arg2[%dma_wait3A_41, %dma_wait3A_42] : memref<100000x1024xf32, #tpu.memory_space<hbm>> -> memref<100000x1024xf32, #tpu.memory_space<hbm>>
      tpu.wait_indirect_dma semaphore(%arg11 : memref<!tpu.dma_semaphore, #tpu.memory_space<semaphore_mem>>) src(%dma_wait3A_43 : memref<100000x1024xf32, #tpu.memory_space<hbm>>) dst(%arg7 : memref<32x1024xf32, #tpu.memory_space<vmem>>)
      %dma_wait3A_44 = arith.constant 0 : i32
      %dma_wait3A_45 = arith.constant 0 : i32
      %dma_wait3A_46 = tpu.memref_slice %arg4[%dma_wait3A_44, %dma_wait3A_45] : memref<2048x1024xf32, #tpu.memory_space<hbm>> -> memref<8x1024xf32, #tpu.memory_space<hbm>>
      %dma_wait3A_47 = arith.constant 0 : i32
      %dma_wait3A_48 = arith.constant 0 : i32
      %dma_wait3A_49 = tpu.memref_slice %arg4[%dma_wait3A_47, %dma_wait3A_48] : memref<2048x1024xf32, #tpu.memory_space<hbm>> -> memref<8x1024xf32, #tpu.memory_space<hbm>>
      tpu.wait_dma2 semaphore(%arg13 : memref<!tpu.dma_semaphore, #tpu.memory_space<semaphore_mem>>) src(%dma_wait3A_49 : memref<8x1024xf32, #tpu.memory_space<hbm>>) dst(%arg9 : memref<8x1024xf32, #tpu.memory_space<vmem>>)
      %add3A_50 = arith.constant 1 : i32
      %add3A_51 = arith.addi %add3A_36, %add3A_50 : i32
      %lt3A = arith.constant 8 : i32
      %lt3A_52 = arith.cmpi slt, %add3A_51, %lt3A : i32
      %convert_element_type3A = arith.extui %lt3A_52 : i1 to i32
      %cond3A = arith.constant 0 : i32
      %cond3A_53 = arith.cmpi ne, %convert_element_type3A, %cond3A : i32
      scf.if %cond3A_53 {
        %ge3A = arith.constant 1 : i32
        %ge3A_106 = arith.cmpi sge, %add3A_36, %ge3A : i32
        %convert_element_type3A_107 = arith.extui %ge3A_106 : i1 to i32
        %cond3A_108 = arith.constant 0 : i32
        %cond3A_109 = arith.cmpi ne, %convert_element_type3A_107, %cond3A_108 : i32
        scf.if %cond3A_109 {
          %dma_wait3A_127 = arith.constant 0 : i32
          %dma_wait3A_128 = arith.constant 0 : i32
          %dma_wait3A_129 = tpu.memref_slice %arg5[%dma_wait3A_127, %dma_wait3A_128] : memref<8192x1024xf32, #tpu.memory_space<hbm>> -> memref<32x1024xf32, #tpu.memory_space<hbm>>
          %dma_wait3A_130 = arith.constant 0 : i32
          %dma_wait3A_131 = arith.constant 0 : i32
          %dma_wait3A_132 = tpu.memref_slice %arg5[%dma_wait3A_130, %dma_wait3A_131] : memref<8192x1024xf32, #tpu.memory_space<hbm>> -> memref<32x1024xf32, #tpu.memory_space<hbm>>
          tpu.wait_dma2 semaphore(%arg16 : memref<!tpu.dma_semaphore, #tpu.memory_space<semaphore_mem>>) src(%arg8 : memref<32x1024xf32, #tpu.memory_space<vmem>>) dst(%dma_wait3A_132 : memref<32x1024xf32, #tpu.memory_space<hbm>>)
        } else {
        }
        %add3A_110 = arith.constant 1 : i32
        %add3A_111 = arith.addi %add3A_36, %add3A_110 : i32
        %dma_start3A_112 = arith.constant 0 : i32
        %dma_start3A_113 = tpu.memref_slice %arg6[%add3A_111, %dma_start3A_112] : memref<8x32xi32, #tpu.memory_space<vmem>> -> memref<1x32xi32, #tpu.memory_space<vmem>>
        %dma_start3A_114 = tpu.memref_squeeze %dma_start3A_113 : memref<1x32xi32, #tpu.memory_space<vmem>> -> memref<32xi32, #tpu.memory_space<vmem>>
        %dma_start3A_115 = arith.constant 0 : i32
        %dma_start3A_116 = arith.constant 0 : i32
        %dma_start3A_117 = tpu.memref_slice %arg2[%dma_start3A_115, %dma_start3A_116] : memref<100000x1024xf32, #tpu.memory_space<hbm>> -> memref<100000x1024xf32, #tpu.memory_space<hbm>>
        tpu.enqueue_indirect_dma source(%dma_start3A_117 : memref<100000x1024xf32, #tpu.memory_space<hbm>>) target(%arg8 : memref<32x1024xf32, #tpu.memory_space<vmem>>) offsets(%dma_start3A_114 : memref<32xi32, #tpu.memory_space<vmem>>) semaphore(%arg12 : memref<!tpu.dma_semaphore, #tpu.memory_space<semaphore_mem>>)
        %mul3A_118 = arith.constant 64 : i32
        %mul3A_119 = arith.muli %add3A, %mul3A_118 : i32
        %mul3A_120 = arith.constant 8 : i32
        %mul3A_121 = arith.muli %add3A_111, %mul3A_120 : i32
        %add3A_122 = arith.addi %mul3A_119, %mul3A_121 : i32
        %dma_start3A_123 = arith.constant 0 : i32
        %dma_start3A_124 = tpu.memref_slice %arg4[%add3A_122, %dma_start3A_123] : memref<2048x1024xf32, #tpu.memory_space<hbm>> -> memref<8x1024xf32, #tpu.memory_space<hbm>>
        %dma_start3A_125 = arith.constant 0 : i32
        %dma_start3A_126 = tpu.memref_slice %arg4[%add3A_122, %dma_start3A_125] : memref<2048x1024xf32, #tpu.memory_space<hbm>> -> memref<8x1024xf32, #tpu.memory_space<hbm>>
        tpu.enqueue_dma source(%dma_start3A_126 : memref<8x1024xf32, #tpu.memory_space<hbm>>) target(%arg10 : memref<8x1024xf32, #tpu.memory_space<vmem>>) target_semaphore(%arg14 : memref<!tpu.dma_semaphore, #tpu.memory_space<semaphore_mem>>)
      } else {
      }
      %scan3A_54 = arith.constant 0 : i32
      %scan3A_55 = arith.constant 8 : i32
      %scan3A_56 = arith.addi %scan3A_54, %scan3A_55 : i32
      %scan3A_57 = arith.constant 1 : i32
      scf.for %scan3A_106 = %scan3A_54 to %scan3A_56 step %scan3A_57  : i32 {
        %scan3A_107 = arith.constant 0 : i32
        %scan3A_108 = arith.constant 16 : i32
        %scan3A_109 = arith.addi %scan3A_107, %scan3A_108 : i32
        %scan3A_110 = arith.constant 1 : i32
        scf.for %scan3A_112 = %scan3A_107 to %scan3A_109 step %scan3A_110  : i32 {
          %mul3A_113 = arith.constant 4 : i32
          %mul3A_114 = arith.muli %scan3A_112, %mul3A_113 : i32
          %add3A_115 = arith.constant 0 : i32
          %add3A_116 = arith.addi %mul3A_114, %add3A_115 : i32
          %mul3A_117 = arith.constant 16 : i32
          %mul3A_118 = arith.muli %add3A_116, %mul3A_117 : i32
          %get3A = arith.index_cast %scan3A_106 : i32 to index
          %get3A_119 = arith.index_cast %mul3A_118 : i32 to index
          %get3A_120 = tpu.vector_load %arg9[%get3A, %get3A_119] {strides = array<i32>} : memref<8x1024xf32, #tpu.memory_space<vmem>>, vector<1x16xf32>,
          %get3A_121 = vector.shape_cast %get3A_120 : vector<1x16xf32> to vector<16xf32>
          %mul3A_122 = arith.constant 4 : i32
          %mul3A_123 = arith.muli %scan3A_106, %mul3A_122 : i32
          %add3A_124 = arith.constant 0 : i32
          %add3A_125 = arith.addi %mul3A_123, %add3A_124 : i32
          %swap3A = arith.index_cast %add3A_125 : i32 to index
          %swap3A_126 = arith.index_cast %mul3A_118 : i32 to index
          %swap3A_127 = tpu.vector_load %arg7[%swap3A, %swap3A_126] {strides = array<i32>} : memref<32x1024xf32, #tpu.memory_space<vmem>>, vector<1x16xf32>,
          %swap3A_128 = vector.shape_cast %swap3A_127 : vector<1x16xf32> to vector<16xf32>
          %swap3A_129 = vector.shape_cast %get3A_121 : vector<16xf32> to vector<1x16xf32>
          tpu.vector_store %arg7[%swap3A, %swap3A_126], %swap3A_129 {add = true, strides = array<i32>} : memref<32x1024xf32, #tpu.memory_space<vmem>>, vector<1x16xf32>,
          %mul3A_130 = arith.constant 4 : i32
          %mul3A_131 = arith.muli %scan3A_106, %mul3A_130 : i32
          %add3A_132 = arith.constant 1 : i32
          %add3A_133 = arith.addi %mul3A_131, %add3A_132 : i32
          %swap3A_134 = arith.index_cast %add3A_133 : i32 to index
          %swap3A_135 = arith.index_cast %mul3A_118 : i32 to index
          %swap3A_136 = tpu.vector_load %arg7[%swap3A_134, %swap3A_135] {strides = array<i32>} : memref<32x1024xf32, #tpu.memory_space<vmem>>, vector<1x16xf32>,
          %swap3A_137 = vector.shape_cast %swap3A_136 : vector<1x16xf32> to vector<16xf32>
          %swap3A_138 = vector.shape_cast %get3A_121 : vector<16xf32> to vector<1x16xf32>
          tpu.vector_store %arg7[%swap3A_134, %swap3A_135], %swap3A_138 {add = true, strides = array<i32>} : memref<32x1024xf32, #tpu.memory_space<vmem>>, vector<1x16xf32>,
          %mul3A_139 = arith.constant 4 : i32
          %mul3A_140 = arith.muli %scan3A_106, %mul3A_139 : i32
          %add3A_141 = arith.constant 2 : i32
          %add3A_142 = arith.addi %mul3A_140, %add3A_141 : i32
          %swap3A_143 = arith.index_cast %add3A_142 : i32 to index
          %swap3A_144 = arith.index_cast %mul3A_118 : i32 to index
          %swap3A_145 = tpu.vector_load %arg7[%swap3A_143, %swap3A_144] {strides = array<i32>} : memref<32x1024xf32, #tpu.memory_space<vmem>>, vector<1x16xf32>,
          %swap3A_146 = vector.shape_cast %swap3A_145 : vector<1x16xf32> to vector<16xf32>
          %swap3A_147 = vector.shape_cast %get3A_121 : vector<16xf32> to vector<1x16xf32>
          tpu.vector_store %arg7[%swap3A_143, %swap3A_144], %swap3A_147 {add = true, strides = array<i32>} : memref<32x1024xf32, #tpu.memory_space<vmem>>, vector<1x16xf32>,
          %mul3A_148 = arith.constant 4 : i32
          %mul3A_149 = arith.muli %scan3A_106, %mul3A_148 : i32
          %add3A_150 = arith.constant 3 : i32
          %add3A_151 = arith.addi %mul3A_149, %add3A_150 : i32
          %swap3A_152 = arith.index_cast %add3A_151 : i32 to index
          %swap3A_153 = arith.index_cast %mul3A_118 : i32 to index
          %swap3A_154 = tpu.vector_load %arg7[%swap3A_152, %swap3A_153] {strides = array<i32>} : memref<32x1024xf32, #tpu.memory_space<vmem>>, vector<1x16xf32>,
          %swap3A_155 = vector.shape_cast %swap3A_154 : vector<1x16xf32> to vector<16xf32>
          %swap3A_156 = vector.shape_cast %get3A_121 : vector<16xf32> to vector<1x16xf32>
          tpu.vector_store %arg7[%swap3A_152, %swap3A_153], %swap3A_156 {add = true, strides = array<i32>} : memref<32x1024xf32, #tpu.memory_space<vmem>>, vector<1x16xf32>,
          %mul3A_157 = arith.constant 4 : i32
          %mul3A_158 = arith.muli %scan3A_112, %mul3A_157 : i32
          %add3A_159 = arith.constant 1 : i32
          %add3A_160 = arith.addi %mul3A_158, %add3A_159 : i32
          %mul3A_161 = arith.constant 16 : i32
          %mul3A_162 = arith.muli %add3A_160, %mul3A_161 : i32
          %get3A_163 = arith.index_cast %scan3A_106 : i32 to index
          %get3A_164 = arith.index_cast %mul3A_162 : i32 to index
          %get3A_165 = tpu.vector_load %arg9[%get3A_163, %get3A_164] {strides = array<i32>} : memref<8x1024xf32, #tpu.memory_space<vmem>>, vector<1x16xf32>,
          %get3A_166 = vector.shape_cast %get3A_165 : vector<1x16xf32> to vector<16xf32>
          %mul3A_167 = arith.constant 4 : i32
          %mul3A_168 = arith.muli %scan3A_106, %mul3A_167 : i32
          %add3A_169 = arith.constant 0 : i32
          %add3A_170 = arith.addi %mul3A_168, %add3A_169 : i32
          %swap3A_171 = arith.index_cast %add3A_170 : i32 to index
          %swap3A_172 = arith.index_cast %mul3A_162 : i32 to index
          %swap3A_173 = tpu.vector_load %arg7[%swap3A_171, %swap3A_172] {strides = array<i32>} : memref<32x1024xf32, #tpu.memory_space<vmem>>, vector<1x16xf32>,
          %swap3A_174 = vector.shape_cast %swap3A_173 : vector<1x16xf32> to vector<16xf32>
          %swap3A_175 = vector.shape_cast %get3A_166 : vector<16xf32> to vector<1x16xf32>
          tpu.vector_store %arg7[%swap3A_171, %swap3A_172], %swap3A_175 {add = true, strides = array<i32>} : memref<32x1024xf32, #tpu.memory_space<vmem>>, vector<1x16xf32>,
          %mul3A_176 = arith.constant 4 : i32
          %mul3A_177 = arith.muli %scan3A_106, %mul3A_176 : i32
          %add3A_178 = arith.constant 1 : i32
          %add3A_179 = arith.addi %mul3A_177, %add3A_178 : i32
          %swap3A_180 = arith.index_cast %add3A_179 : i32 to index
          %swap3A_181 = arith.index_cast %mul3A_162 : i32 to index
          %swap3A_182 = tpu.vector_load %arg7[%swap3A_180, %swap3A_181] {strides = array<i32>} : memref<32x1024xf32, #tpu.memory_space<vmem>>, vector<1x16xf32>,
          %swap3A_183 = vector.shape_cast %swap3A_182 : vector<1x16xf32> to vector<16xf32>
          %swap3A_184 = vector.shape_cast %get3A_166 : vector<16xf32> to vector<1x16xf32>
          tpu.vector_store %arg7[%swap3A_180, %swap3A_181], %swap3A_184 {add = true, strides = array<i32>} : memref<32x1024xf32, #tpu.memory_space<vmem>>, vector<1x16xf32>,
          %mul3A_185 = arith.constant 4 : i32
          %mul3A_186 = arith.muli %scan3A_106, %mul3A_185 : i32
          %add3A_187 = arith.constant 2 : i32
          %add3A_188 = arith.addi %mul3A_186, %add3A_187 : i32
          %swap3A_189 = arith.index_cast %add3A_188 : i32 to index
          %swap3A_190 = arith.index_cast %mul3A_162 : i32 to index
          %swap3A_191 = tpu.vector_load %arg7[%swap3A_189, %swap3A_190] {strides = array<i32>} : memref<32x1024xf32, #tpu.memory_space<vmem>>, vector<1x16xf32>,
          %swap3A_192 = vector.shape_cast %swap3A_191 : vector<1x16xf32> to vector<16xf32>
          %swap3A_193 = vector.shape_cast %get3A_166 : vector<16xf32> to vector<1x16xf32>
          tpu.vector_store %arg7[%swap3A_189, %swap3A_190], %swap3A_193 {add = true, strides = array<i32>} : memref<32x1024xf32, #tpu.memory_space<vmem>>, vector<1x16xf32>,
          %mul3A_194 = arith.constant 4 : i32
          %mul3A_195 = arith.muli %scan3A_106, %mul3A_194 : i32
          %add3A_196 = arith.constant 3 : i32
          %add3A_197 = arith.addi %mul3A_195, %add3A_196 : i32
          %swap3A_198 = arith.index_cast %add3A_197 : i32 to index
          %swap3A_199 = arith.index_cast %mul3A_162 : i32 to index
          %swap3A_200 = tpu.vector_load %arg7[%swap3A_198, %swap3A_199] {strides = array<i32>} : memref<32x1024xf32, #tpu.memory_space<vmem>>, vector<1x16xf32>,
          %swap3A_201 = vector.shape_cast %swap3A_200 : vector<1x16xf32> to vector<16xf32>
          %swap3A_202 = vector.shape_cast %get3A_166 : vector<16xf32> to vector<1x16xf32>
          tpu.vector_store %arg7[%swap3A_198, %swap3A_199], %swap3A_202 {add = true, strides = array<i32>} : memref<32x1024xf32, #tpu.memory_space<vmem>>, vector<1x16xf32>,
          %mul3A_203 = arith.constant 4 : i32
          %mul3A_204 = arith.muli %scan3A_112, %mul3A_203 : i32
          %add3A_205 = arith.constant 2 : i32
          %add3A_206 = arith.addi %mul3A_204, %add3A_205 : i32
          %mul3A_207 = arith.constant 16 : i32
          %mul3A_208 = arith.muli %add3A_206, %mul3A_207 : i32
          %get3A_209 = arith.index_cast %scan3A_106 : i32 to index
          %get3A_210 = arith.index_cast %mul3A_208 : i32 to index
          %get3A_211 = tpu.vector_load %arg9[%get3A_209, %get3A_210] {strides = array<i32>} : memref<8x1024xf32, #tpu.memory_space<vmem>>, vector<1x16xf32>,
          %get3A_212 = vector.shape_cast %get3A_211 : vector<1x16xf32> to vector<16xf32>
          %mul3A_213 = arith.constant 4 : i32
          %mul3A_214 = arith.muli %scan3A_106, %mul3A_213 : i32
          %add3A_215 = arith.constant 0 : i32
          %add3A_216 = arith.addi %mul3A_214, %add3A_215 : i32
          %swap3A_217 = arith.index_cast %add3A_216 : i32 to index
          %swap3A_218 = arith.index_cast %mul3A_208 : i32 to index
          %swap3A_219 = tpu.vector_load %arg7[%swap3A_217, %swap3A_218] {strides = array<i32>} : memref<32x1024xf32, #tpu.memory_space<vmem>>, vector<1x16xf32>,
          %swap3A_220 = vector.shape_cast %swap3A_219 : vector<1x16xf32> to vector<16xf32>
          %swap3A_221 = vector.shape_cast %get3A_212 : vector<16xf32> to vector<1x16xf32>
          tpu.vector_store %arg7[%swap3A_217, %swap3A_218], %swap3A_221 {add = true, strides = array<i32>} : memref<32x1024xf32, #tpu.memory_space<vmem>>, vector<1x16xf32>,
          %mul3A_222 = arith.constant 4 : i32
          %mul3A_223 = arith.muli %scan3A_106, %mul3A_222 : i32
          %add3A_224 = arith.constant 1 : i32
          %add3A_225 = arith.addi %mul3A_223, %add3A_224 : i32
          %swap3A_226 = arith.index_cast %add3A_225 : i32 to index
          %swap3A_227 = arith.index_cast %mul3A_208 : i32 to index
          %swap3A_228 = tpu.vector_load %arg7[%swap3A_226, %swap3A_227] {strides = array<i32>} : memref<32x1024xf32, #tpu.memory_space<vmem>>, vector<1x16xf32>,
          %swap3A_229 = vector.shape_cast %swap3A_228 : vector<1x16xf32> to vector<16xf32>
          %swap3A_230 = vector.shape_cast %get3A_212 : vector<16xf32> to vector<1x16xf32>
          tpu.vector_store %arg7[%swap3A_226, %swap3A_227], %swap3A_230 {add = true, strides = array<i32>} : memref<32x1024xf32, #tpu.memory_space<vmem>>, vector<1x16xf32>,
          %mul3A_231 = arith.constant 4 : i32
          %mul3A_232 = arith.muli %scan3A_106, %mul3A_231 : i32
          %add3A_233 = arith.constant 2 : i32
          %add3A_234 = arith.addi %mul3A_232, %add3A_233 : i32
          %swap3A_235 = arith.index_cast %add3A_234 : i32 to index
          %swap3A_236 = arith.index_cast %mul3A_208 : i32 to index
          %swap3A_237 = tpu.vector_load %arg7[%swap3A_235, %swap3A_236] {strides = array<i32>} : memref<32x1024xf32, #tpu.memory_space<vmem>>, vector<1x16xf32>,
          %swap3A_238 = vector.shape_cast %swap3A_237 : vector<1x16xf32> to vector<16xf32>
          %swap3A_239 = vector.shape_cast %get3A_212 : vector<16xf32> to vector<1x16xf32>
          tpu.vector_store %arg7[%swap3A_235, %swap3A_236], %swap3A_239 {add = true, strides = array<i32>} : memref<32x1024xf32, #tpu.memory_space<vmem>>, vector<1x16xf32>,
          %mul3A_240 = arith.constant 4 : i32
          %mul3A_241 = arith.muli %scan3A_106, %mul3A_240 : i32
          %add3A_242 = arith.constant 3 : i32
          %add3A_243 = arith.addi %mul3A_241, %add3A_242 : i32
          %swap3A_244 = arith.index_cast %add3A_243 : i32 to index
          %swap3A_245 = arith.index_cast %mul3A_208 : i32 to index
          %swap3A_246 = tpu.vector_load %arg7[%swap3A_244, %swap3A_245] {strides = array<i32>} : memref<32x1024xf32, #tpu.memory_space<vmem>>, vector<1x16xf32>,
          %swap3A_247 = vector.shape_cast %swap3A_246 : vector<1x16xf32> to vector<16xf32>
          %swap3A_248 = vector.shape_cast %get3A_212 : vector<16xf32> to vector<1x16xf32>
          tpu.vector_store %arg7[%swap3A_244, %swap3A_245], %swap3A_248 {add = true, strides = array<i32>} : memref<32x1024xf32, #tpu.memory_space<vmem>>, vector<1x16xf32>,
          %mul3A_249 = arith.constant 4 : i32
          %mul3A_250 = arith.muli %scan3A_112, %mul3A_249 : i32
          %add3A_251 = arith.constant 3 : i32
          %add3A_252 = arith.addi %mul3A_250, %add3A_251 : i32
          %mul3A_253 = arith.constant 16 : i32
          %mul3A_254 = arith.muli %add3A_252, %mul3A_253 : i32
          %get3A_255 = arith.index_cast %scan3A_106 : i32 to index
          %get3A_256 = arith.index_cast %mul3A_254 : i32 to index
          %get3A_257 = tpu.vector_load %arg9[%get3A_255, %get3A_256] {strides = array<i32>} : memref<8x1024xf32, #tpu.memory_space<vmem>>, vector<1x16xf32>,
          %get3A_258 = vector.shape_cast %get3A_257 : vector<1x16xf32> to vector<16xf32>
          %mul3A_259 = arith.constant 4 : i32
          %mul3A_260 = arith.muli %scan3A_106, %mul3A_259 : i32
          %add3A_261 = arith.constant 0 : i32
          %add3A_262 = arith.addi %mul3A_260, %add3A_261 : i32
          %swap3A_263 = arith.index_cast %add3A_262 : i32 to index
          %swap3A_264 = arith.index_cast %mul3A_254 : i32 to index
          %swap3A_265 = tpu.vector_load %arg7[%swap3A_263, %swap3A_264] {strides = array<i32>} : memref<32x1024xf32, #tpu.memory_space<vmem>>, vector<1x16xf32>,
          %swap3A_266 = vector.shape_cast %swap3A_265 : vector<1x16xf32> to vector<16xf32>
          %swap3A_267 = vector.shape_cast %get3A_258 : vector<16xf32> to vector<1x16xf32>
          tpu.vector_store %arg7[%swap3A_263, %swap3A_264], %swap3A_267 {add = true, strides = array<i32>} : memref<32x1024xf32, #tpu.memory_space<vmem>>, vector<1x16xf32>,
          %mul3A_268 = arith.constant 4 : i32
          %mul3A_269 = arith.muli %scan3A_106, %mul3A_268 : i32
          %add3A_270 = arith.constant 1 : i32
          %add3A_271 = arith.addi %mul3A_269, %add3A_270 : i32
          %swap3A_272 = arith.index_cast %add3A_271 : i32 to index
          %swap3A_273 = arith.index_cast %mul3A_254 : i32 to index
          %swap3A_274 = tpu.vector_load %arg7[%swap3A_272, %swap3A_273] {strides = array<i32>} : memref<32x1024xf32, #tpu.memory_space<vmem>>, vector<1x16xf32>,
          %swap3A_275 = vector.shape_cast %swap3A_274 : vector<1x16xf32> to vector<16xf32>
          %swap3A_276 = vector.shape_cast %get3A_258 : vector<16xf32> to vector<1x16xf32>
          tpu.vector_store %arg7[%swap3A_272, %swap3A_273], %swap3A_276 {add = true, strides = array<i32>} : memref<32x1024xf32, #tpu.memory_space<vmem>>, vector<1x16xf32>,
          %mul3A_277 = arith.constant 4 : i32
          %mul3A_278 = arith.muli %scan3A_106, %mul3A_277 : i32
          %add3A_279 = arith.constant 2 : i32
          %add3A_280 = arith.addi %mul3A_278, %add3A_279 : i32
          %swap3A_281 = arith.index_cast %add3A_280 : i32 to index
          %swap3A_282 = arith.index_cast %mul3A_254 : i32 to index
          %swap3A_283 = tpu.vector_load %arg7[%swap3A_281, %swap3A_282] {strides = array<i32>} : memref<32x1024xf32, #tpu.memory_space<vmem>>, vector<1x16xf32>,
          %swap3A_284 = vector.shape_cast %swap3A_283 : vector<1x16xf32> to vector<16xf32>
          %swap3A_285 = vector.shape_cast %get3A_258 : vector<16xf32> to vector<1x16xf32>
          tpu.vector_store %arg7[%swap3A_281, %swap3A_282], %swap3A_285 {add = true, strides = array<i32>} : memref<32x1024xf32, #tpu.memory_space<vmem>>, vector<1x16xf32>,
          %mul3A_286 = arith.constant 4 : i32
          %mul3A_287 = arith.muli %scan3A_106, %mul3A_286 : i32
          %add3A_288 = arith.constant 3 : i32
          %add3A_289 = arith.addi %mul3A_287, %add3A_288 : i32
          %swap3A_290 = arith.index_cast %add3A_289 : i32 to index
          %swap3A_291 = arith.index_cast %mul3A_254 : i32 to index
          %swap3A_292 = tpu.vector_load %arg7[%swap3A_290, %swap3A_291] {strides = array<i32>} : memref<32x1024xf32, #tpu.memory_space<vmem>>, vector<1x16xf32>,
          %swap3A_293 = vector.shape_cast %swap3A_292 : vector<1x16xf32> to vector<16xf32>
          %swap3A_294 = vector.shape_cast %get3A_258 : vector<16xf32> to vector<1x16xf32>
          tpu.vector_store %arg7[%swap3A_290, %swap3A_291], %swap3A_294 {add = true, strides = array<i32>} : memref<32x1024xf32, #tpu.memory_space<vmem>>, vector<1x16xf32>,
        }
        %scan3A_111 = arith.constant 16 : i32
      }
      %scan3A_58 = arith.constant 8 : i32
      %mul3A_59 = arith.constant 256 : i32
      %mul3A_60 = arith.muli %add3A, %mul3A_59 : i32
      %mul3A_61 = arith.constant 32 : i32
      %mul3A_62 = arith.muli %add3A_36, %mul3A_61 : i32
      %add3A_63 = arith.addi %mul3A_60, %mul3A_62 : i32
      %dma_start3A_64 = arith.constant 0 : i32
      %dma_start3A_65 = tpu.memref_slice %arg5[%add3A_63, %dma_start3A_64] : memref<8192x1024xf32, #tpu.memory_space<hbm>> -> memref<32x1024xf32, #tpu.memory_space<hbm>>
      %dma_start3A_66 = arith.constant 0 : i32
      %dma_start3A_67 = tpu.memref_slice %arg5[%add3A_63, %dma_start3A_66] : memref<8192x1024xf32, #tpu.memory_space<hbm>> -> memref<32x1024xf32, #tpu.memory_space<hbm>>
      tpu.enqueue_dma source(%arg7 : memref<32x1024xf32, #tpu.memory_space<vmem>>) target(%dma_start3A_67 : memref<32x1024xf32, #tpu.memory_space<hbm>>) target_semaphore(%arg15 : memref<!tpu.dma_semaphore, #tpu.memory_space<semaphore_mem>>)
      %mul3A_68 = arith.constant 2 : i32
      %mul3A_69 = arith.muli %scan3A_32, %mul3A_68 : i32
      %add3A_70 = arith.constant 1 : i32
      %add3A_71 = arith.addi %mul3A_69, %add3A_70 : i32
      %dma_wait3A_72 = arith.constant 0 : i32
      %dma_wait3A_73 = arith.constant 0 : i32
      %dma_wait3A_74 = tpu.memref_slice %arg6[%dma_wait3A_72, %dma_wait3A_73] : memref<8x32xi32, #tpu.memory_space<vmem>> -> memref<1x32xi32, #tpu.memory_space<vmem>>
      %dma_wait3A_75 = tpu.memref_squeeze %dma_wait3A_74 : memref<1x32xi32, #tpu.memory_space<vmem>> -> memref<32xi32, #tpu.memory_space<vmem>>
      %dma_wait3A_76 = arith.constant 0 : i32
      %dma_wait3A_77 = arith.constant 0 : i32
      %dma_wait3A_78 = tpu.memref_slice %arg2[%dma_wait3A_76, %dma_wait3A_77] : memref<100000x1024xf32, #tpu.memory_space<hbm>> -> memref<100000x1024xf32, #tpu.memory_space<hbm>>
      tpu.wait_indirect_dma semaphore(%arg12 : memref<!tpu.dma_semaphore, #tpu.memory_space<semaphore_mem>>) src(%dma_wait3A_78 : memref<100000x1024xf32, #tpu.memory_space<hbm>>) dst(%arg8 : memref<32x1024xf32, #tpu.memory_space<vmem>>)
      %dma_wait3A_79 = arith.constant 0 : i32
      %dma_wait3A_80 = arith.constant 0 : i32
      %dma_wait3A_81 = tpu.memref_slice %arg4[%dma_wait3A_79, %dma_wait3A_80] : memref<2048x1024xf32, #tpu.memory_space<hbm>> -> memref<8x1024xf32, #tpu.memory_space<hbm>>
      %dma_wait3A_82 = arith.constant 0 : i32
      %dma_wait3A_83 = arith.constant 0 : i32
      %dma_wait3A_84 = tpu.memref_slice %arg4[%dma_wait3A_82, %dma_wait3A_83] : memref<2048x1024xf32, #tpu.memory_space<hbm>> -> memref<8x1024xf32, #tpu.memory_space<hbm>>
      tpu.wait_dma2 semaphore(%arg14 : memref<!tpu.dma_semaphore, #tpu.memory_space<semaphore_mem>>) src(%dma_wait3A_84 : memref<8x1024xf32, #tpu.memory_space<hbm>>) dst(%arg10 : memref<8x1024xf32, #tpu.memory_space<vmem>>)
      %add3A_85 = arith.constant 1 : i32
      %add3A_86 = arith.addi %add3A_71, %add3A_85 : i32
      %lt3A_87 = arith.constant 8 : i32
      %lt3A_88 = arith.cmpi slt, %add3A_86, %lt3A_87 : i32
      %convert_element_type3A_89 = arith.extui %lt3A_88 : i1 to i32
      %cond3A_90 = arith.constant 0 : i32
      %cond3A_91 = arith.cmpi ne, %convert_element_type3A_89, %cond3A_90 : i32
      scf.if %cond3A_91 {
        %ge3A = arith.constant 1 : i32
        %ge3A_106 = arith.cmpi sge, %add3A_71, %ge3A : i32
        %convert_element_type3A_107 = arith.extui %ge3A_106 : i1 to i32
        %cond3A_108 = arith.constant 0 : i32
        %cond3A_109 = arith.cmpi ne, %convert_element_type3A_107, %cond3A_108 : i32
        scf.if %cond3A_109 {
          %dma_wait3A_127 = arith.constant 0 : i32
          %dma_wait3A_128 = arith.constant 0 : i32
          %dma_wait3A_129 = tpu.memref_slice %arg5[%dma_wait3A_127, %dma_wait3A_128] : memref<8192x1024xf32, #tpu.memory_space<hbm>> -> memref<32x1024xf32, #tpu.memory_space<hbm>>
          %dma_wait3A_130 = arith.constant 0 : i32
          %dma_wait3A_131 = arith.constant 0 : i32
          %dma_wait3A_132 = tpu.memref_slice %arg5[%dma_wait3A_130, %dma_wait3A_131] : memref<8192x1024xf32, #tpu.memory_space<hbm>> -> memref<32x1024xf32, #tpu.memory_space<hbm>>
          tpu.wait_dma2 semaphore(%arg15 : memref<!tpu.dma_semaphore, #tpu.memory_space<semaphore_mem>>) src(%arg7 : memref<32x1024xf32, #tpu.memory_space<vmem>>) dst(%dma_wait3A_132 : memref<32x1024xf32, #tpu.memory_space<hbm>>)
        } else {
        }
        %add3A_110 = arith.constant 1 : i32
        %add3A_111 = arith.addi %add3A_71, %add3A_110 : i32
        %dma_start3A_112 = arith.constant 0 : i32
        %dma_start3A_113 = tpu.memref_slice %arg6[%add3A_111, %dma_start3A_112] : memref<8x32xi32, #tpu.memory_space<vmem>> -> memref<1x32xi32, #tpu.memory_space<vmem>>
        %dma_start3A_114 = tpu.memref_squeeze %dma_start3A_113 : memref<1x32xi32, #tpu.memory_space<vmem>> -> memref<32xi32, #tpu.memory_space<vmem>>
        %dma_start3A_115 = arith.constant 0 : i32
        %dma_start3A_116 = arith.constant 0 : i32
        %dma_start3A_117 = tpu.memref_slice %arg2[%dma_start3A_115, %dma_start3A_116] : memref<100000x1024xf32, #tpu.memory_space<hbm>> -> memref<100000x1024xf32, #tpu.memory_space<hbm>>
        tpu.enqueue_indirect_dma source(%dma_start3A_117 : memref<100000x1024xf32, #tpu.memory_space<hbm>>) target(%arg7 : memref<32x1024xf32, #tpu.memory_space<vmem>>) offsets(%dma_start3A_114 : memref<32xi32, #tpu.memory_space<vmem>>) semaphore(%arg11 : memref<!tpu.dma_semaphore, #tpu.memory_space<semaphore_mem>>)
        %mul3A_118 = arith.constant 64 : i32
        %mul3A_119 = arith.muli %add3A, %mul3A_118 : i32
        %mul3A_120 = arith.constant 8 : i32
        %mul3A_121 = arith.muli %add3A_111, %mul3A_120 : i32
        %add3A_122 = arith.addi %mul3A_119, %mul3A_121 : i32
        %dma_start3A_123 = arith.constant 0 : i32
        %dma_start3A_124 = tpu.memref_slice %arg4[%add3A_122, %dma_start3A_123] : memref<2048x1024xf32, #tpu.memory_space<hbm>> -> memref<8x1024xf32, #tpu.memory_space<hbm>>
        %dma_start3A_125 = arith.constant 0 : i32
        %dma_start3A_126 = tpu.memref_slice %arg4[%add3A_122, %dma_start3A_125] : memref<2048x1024xf32, #tpu.memory_space<hbm>> -> memref<8x1024xf32, #tpu.memory_space<hbm>>
        tpu.enqueue_dma source(%dma_start3A_126 : memref<8x1024xf32, #tpu.memory_space<hbm>>) target(%arg9 : memref<8x1024xf32, #tpu.memory_space<vmem>>) target_semaphore(%arg13 : memref<!tpu.dma_semaphore, #tpu.memory_space<semaphore_mem>>)
      } else {
      }
      %scan3A_92 = arith.constant 0 : i32
      %scan3A_93 = arith.constant 8 : i32
      %scan3A_94 = arith.addi %scan3A_92, %scan3A_93 : i32
      %scan3A_95 = arith.constant 1 : i32
      scf.for %scan3A_106 = %scan3A_92 to %scan3A_94 step %scan3A_95  : i32 {
        %scan3A_107 = arith.constant 0 : i32
        %scan3A_108 = arith.constant 16 : i32
        %scan3A_109 = arith.addi %scan3A_107, %scan3A_108 : i32
        %scan3A_110 = arith.constant 1 : i32
        scf.for %scan3A_112 = %scan3A_107 to %scan3A_109 step %scan3A_110  : i32 {
          %mul3A_113 = arith.constant 4 : i32
          %mul3A_114 = arith.muli %scan3A_112, %mul3A_113 : i32
          %add3A_115 = arith.constant 0 : i32
          %add3A_116 = arith.addi %mul3A_114, %add3A_115 : i32
          %mul3A_117 = arith.constant 16 : i32
          %mul3A_118 = arith.muli %add3A_116, %mul3A_117 : i32
          %get3A = arith.index_cast %scan3A_106 : i32 to index
          %get3A_119 = arith.index_cast %mul3A_118 : i32 to index
          %get3A_120 = tpu.vector_load %arg10[%get3A, %get3A_119] {strides = array<i32>} : memref<8x1024xf32, #tpu.memory_space<vmem>>, vector<1x16xf32>,
          %get3A_121 = vector.shape_cast %get3A_120 : vector<1x16xf32> to vector<16xf32>
          %mul3A_122 = arith.constant 4 : i32
          %mul3A_123 = arith.muli %scan3A_106, %mul3A_122 : i32
          %add3A_124 = arith.constant 0 : i32
          %add3A_125 = arith.addi %mul3A_123, %add3A_124 : i32
          %swap3A = arith.index_cast %add3A_125 : i32 to index
          %swap3A_126 = arith.index_cast %mul3A_118 : i32 to index
          %swap3A_127 = tpu.vector_load %arg8[%swap3A, %swap3A_126] {strides = array<i32>} : memref<32x1024xf32, #tpu.memory_space<vmem>>, vector<1x16xf32>,
          %swap3A_128 = vector.shape_cast %swap3A_127 : vector<1x16xf32> to vector<16xf32>
          %swap3A_129 = vector.shape_cast %get3A_121 : vector<16xf32> to vector<1x16xf32>
          tpu.vector_store %arg8[%swap3A, %swap3A_126], %swap3A_129 {add = true, strides = array<i32>} : memref<32x1024xf32, #tpu.memory_space<vmem>>, vector<1x16xf32>,
          %mul3A_130 = arith.constant 4 : i32
          %mul3A_131 = arith.muli %scan3A_106, %mul3A_130 : i32
          %add3A_132 = arith.constant 1 : i32
          %add3A_133 = arith.addi %mul3A_131, %add3A_132 : i32
          %swap3A_134 = arith.index_cast %add3A_133 : i32 to index
          %swap3A_135 = arith.index_cast %mul3A_118 : i32 to index
          %swap3A_136 = tpu.vector_load %arg8[%swap3A_134, %swap3A_135] {strides = array<i32>} : memref<32x1024xf32, #tpu.memory_space<vmem>>, vector<1x16xf32>,
          %swap3A_137 = vector.shape_cast %swap3A_136 : vector<1x16xf32> to vector<16xf32>
          %swap3A_138 = vector.shape_cast %get3A_121 : vector<16xf32> to vector<1x16xf32>
          tpu.vector_store %arg8[%swap3A_134, %swap3A_135], %swap3A_138 {add = true, strides = array<i32>} : memref<32x1024xf32, #tpu.memory_space<vmem>>, vector<1x16xf32>,
          %mul3A_139 = arith.constant 4 : i32
          %mul3A_140 = arith.muli %scan3A_106, %mul3A_139 : i32
          %add3A_141 = arith.constant 2 : i32
          %add3A_142 = arith.addi %mul3A_140, %add3A_141 : i32
          %swap3A_143 = arith.index_cast %add3A_142 : i32 to index
          %swap3A_144 = arith.index_cast %mul3A_118 : i32 to index
          %swap3A_145 = tpu.vector_load %arg8[%swap3A_143, %swap3A_144] {strides = array<i32>} : memref<32x1024xf32, #tpu.memory_space<vmem>>, vector<1x16xf32>,
          %swap3A_146 = vector.shape_cast %swap3A_145 : vector<1x16xf32> to vector<16xf32>
          %swap3A_147 = vector.shape_cast %get3A_121 : vector<16xf32> to vector<1x16xf32>
          tpu.vector_store %arg8[%swap3A_143, %swap3A_144], %swap3A_147 {add = true, strides = array<i32>} : memref<32x1024xf32, #tpu.memory_space<vmem>>, vector<1x16xf32>,
          %mul3A_148 = arith.constant 4 : i32
          %mul3A_149 = arith.muli %scan3A_106, %mul3A_148 : i32
          %add3A_150 = arith.constant 3 : i32
          %add3A_151 = arith.addi %mul3A_149, %add3A_150 : i32
          %swap3A_152 = arith.index_cast %add3A_151 : i32 to index
          %swap3A_153 = arith.index_cast %mul3A_118 : i32 to index
          %swap3A_154 = tpu.vector_load %arg8[%swap3A_152, %swap3A_153] {strides = array<i32>} : memref<32x1024xf32, #tpu.memory_space<vmem>>, vector<1x16xf32>,
          %swap3A_155 = vector.shape_cast %swap3A_154 : vector<1x16xf32> to vector<16xf32>
          %swap3A_156 = vector.shape_cast %get3A_121 : vector<16xf32> to vector<1x16xf32>
          tpu.vector_store %arg8[%swap3A_152, %swap3A_153], %swap3A_156 {add = true, strides = array<i32>} : memref<32x1024xf32, #tpu.memory_space<vmem>>, vector<1x16xf32>,
          %mul3A_157 = arith.constant 4 : i32
          %mul3A_158 = arith.muli %scan3A_112, %mul3A_157 : i32
          %add3A_159 = arith.constant 1 : i32
          %add3A_160 = arith.addi %mul3A_158, %add3A_159 : i32
          %mul3A_161 = arith.constant 16 : i32
          %mul3A_162 = arith.muli %add3A_160, %mul3A_161 : i32
          %get3A_163 = arith.index_cast %scan3A_106 : i32 to index
          %get3A_164 = arith.index_cast %mul3A_162 : i32 to index
          %get3A_165 = tpu.vector_load %arg10[%get3A_163, %get3A_164] {strides = array<i32>} : memref<8x1024xf32, #tpu.memory_space<vmem>>, vector<1x16xf32>,
          %get3A_166 = vector.shape_cast %get3A_165 : vector<1x16xf32> to vector<16xf32>
          %mul3A_167 = arith.constant 4 : i32
          %mul3A_168 = arith.muli %scan3A_106, %mul3A_167 : i32
          %add3A_169 = arith.constant 0 : i32
          %add3A_170 = arith.addi %mul3A_168, %add3A_169 : i32
          %swap3A_171 = arith.index_cast %add3A_170 : i32 to index
          %swap3A_172 = arith.index_cast %mul3A_162 : i32 to index
          %swap3A_173 = tpu.vector_load %arg8[%swap3A_171, %swap3A_172] {strides = array<i32>} : memref<32x1024xf32, #tpu.memory_space<vmem>>, vector<1x16xf32>,
          %swap3A_174 = vector.shape_cast %swap3A_173 : vector<1x16xf32> to vector<16xf32>
          %swap3A_175 = vector.shape_cast %get3A_166 : vector<16xf32> to vector<1x16xf32>
          tpu.vector_store %arg8[%swap3A_171, %swap3A_172], %swap3A_175 {add = true, strides = array<i32>} : memref<32x1024xf32, #tpu.memory_space<vmem>>, vector<1x16xf32>,
          %mul3A_176 = arith.constant 4 : i32
          %mul3A_177 = arith.muli %scan3A_106, %mul3A_176 : i32
          %add3A_178 = arith.constant 1 : i32
          %add3A_179 = arith.addi %mul3A_177, %add3A_178 : i32
          %swap3A_180 = arith.index_cast %add3A_179 : i32 to index
          %swap3A_181 = arith.index_cast %mul3A_162 : i32 to index
          %swap3A_182 = tpu.vector_load %arg8[%swap3A_180, %swap3A_181] {strides = array<i32>} : memref<32x1024xf32, #tpu.memory_space<vmem>>, vector<1x16xf32>,
          %swap3A_183 = vector.shape_cast %swap3A_182 : vector<1x16xf32> to vector<16xf32>
          %swap3A_184 = vector.shape_cast %get3A_166 : vector<16xf32> to vector<1x16xf32>
          tpu.vector_store %arg8[%swap3A_180, %swap3A_181], %swap3A_184 {add = true, strides = array<i32>} : memref<32x1024xf32, #tpu.memory_space<vmem>>, vector<1x16xf32>,
          %mul3A_185 = arith.constant 4 : i32
          %mul3A_186 = arith.muli %scan3A_106, %mul3A_185 : i32
          %add3A_187 = arith.constant 2 : i32
          %add3A_188 = arith.addi %mul3A_186, %add3A_187 : i32
          %swap3A_189 = arith.index_cast %add3A_188 : i32 to index
          %swap3A_190 = arith.index_cast %mul3A_162 : i32 to index
          %swap3A_191 = tpu.vector_load %arg8[%swap3A_189, %swap3A_190] {strides = array<i32>} : memref<32x1024xf32, #tpu.memory_space<vmem>>, vector<1x16xf32>,
          %swap3A_192 = vector.shape_cast %swap3A_191 : vector<1x16xf32> to vector<16xf32>
          %swap3A_193 = vector.shape_cast %get3A_166 : vector<16xf32> to vector<1x16xf32>
          tpu.vector_store %arg8[%swap3A_189, %swap3A_190], %swap3A_193 {add = true, strides = array<i32>} : memref<32x1024xf32, #tpu.memory_space<vmem>>, vector<1x16xf32>,
          %mul3A_194 = arith.constant 4 : i32
          %mul3A_195 = arith.muli %scan3A_106, %mul3A_194 : i32
          %add3A_196 = arith.constant 3 : i32
          %add3A_197 = arith.addi %mul3A_195, %add3A_196 : i32
          %swap3A_198 = arith.index_cast %add3A_197 : i32 to index
          %swap3A_199 = arith.index_cast %mul3A_162 : i32 to index
          %swap3A_200 = tpu.vector_load %arg8[%swap3A_198, %swap3A_199] {strides = array<i32>} : memref<32x1024xf32, #tpu.memory_space<vmem>>, vector<1x16xf32>,
          %swap3A_201 = vector.shape_cast %swap3A_200 : vector<1x16xf32> to vector<16xf32>
          %swap3A_202 = vector.shape_cast %get3A_166 : vector<16xf32> to vector<1x16xf32>
          tpu.vector_store %arg8[%swap3A_198, %swap3A_199], %swap3A_202 {add = true, strides = array<i32>} : memref<32x1024xf32, #tpu.memory_space<vmem>>, vector<1x16xf32>,
          %mul3A_203 = arith.constant 4 : i32
          %mul3A_204 = arith.muli %scan3A_112, %mul3A_203 : i32
          %add3A_205 = arith.constant 2 : i32
          %add3A_206 = arith.addi %mul3A_204, %add3A_205 : i32
          %mul3A_207 = arith.constant 16 : i32
          %mul3A_208 = arith.muli %add3A_206, %mul3A_207 : i32
          %get3A_209 = arith.index_cast %scan3A_106 : i32 to index
          %get3A_210 = arith.index_cast %mul3A_208 : i32 to index
          %get3A_211 = tpu.vector_load %arg10[%get3A_209, %get3A_210] {strides = array<i32>} : memref<8x1024xf32, #tpu.memory_space<vmem>>, vector<1x16xf32>,
          %get3A_212 = vector.shape_cast %get3A_211 : vector<1x16xf32> to vector<16xf32>
          %mul3A_213 = arith.constant 4 : i32
          %mul3A_214 = arith.muli %scan3A_106, %mul3A_213 : i32
          %add3A_215 = arith.constant 0 : i32
          %add3A_216 = arith.addi %mul3A_214, %add3A_215 : i32
          %swap3A_217 = arith.index_cast %add3A_216 : i32 to index
          %swap3A_218 = arith.index_cast %mul3A_208 : i32 to index
          %swap3A_219 = tpu.vector_load %arg8[%swap3A_217, %swap3A_218] {strides = array<i32>} : memref<32x1024xf32, #tpu.memory_space<vmem>>, vector<1x16xf32>,
          %swap3A_220 = vector.shape_cast %swap3A_219 : vector<1x16xf32> to vector<16xf32>
          %swap3A_221 = vector.shape_cast %get3A_212 : vector<16xf32> to vector<1x16xf32>
          tpu.vector_store %arg8[%swap3A_217, %swap3A_218], %swap3A_221 {add = true, strides = array<i32>} : memref<32x1024xf32, #tpu.memory_space<vmem>>, vector<1x16xf32>,
          %mul3A_222 = arith.constant 4 : i32
          %mul3A_223 = arith.muli %scan3A_106, %mul3A_222 : i32
          %add3A_224 = arith.constant 1 : i32
          %add3A_225 = arith.addi %mul3A_223, %add3A_224 : i32
          %swap3A_226 = arith.index_cast %add3A_225 : i32 to index
          %swap3A_227 = arith.index_cast %mul3A_208 : i32 to index
          %swap3A_228 = tpu.vector_load %arg8[%swap3A_226, %swap3A_227] {strides = array<i32>} : memref<32x1024xf32, #tpu.memory_space<vmem>>, vector<1x16xf32>,
          %swap3A_229 = vector.shape_cast %swap3A_228 : vector<1x16xf32> to vector<16xf32>
          %swap3A_230 = vector.shape_cast %get3A_212 : vector<16xf32> to vector<1x16xf32>
          tpu.vector_store %arg8[%swap3A_226, %swap3A_227], %swap3A_230 {add = true, strides = array<i32>} : memref<32x1024xf32, #tpu.memory_space<vmem>>, vector<1x16xf32>,
          %mul3A_231 = arith.constant 4 : i32
          %mul3A_232 = arith.muli %scan3A_106, %mul3A_231 : i32
          %add3A_233 = arith.constant 2 : i32
          %add3A_234 = arith.addi %mul3A_232, %add3A_233 : i32
          %swap3A_235 = arith.index_cast %add3A_234 : i32 to index
          %swap3A_236 = arith.index_cast %mul3A_208 : i32 to index
          %swap3A_237 = tpu.vector_load %arg8[%swap3A_235, %swap3A_236] {strides = array<i32>} : memref<32x1024xf32, #tpu.memory_space<vmem>>, vector<1x16xf32>,
          %swap3A_238 = vector.shape_cast %swap3A_237 : vector<1x16xf32> to vector<16xf32>
          %swap3A_239 = vector.shape_cast %get3A_212 : vector<16xf32> to vector<1x16xf32>
          tpu.vector_store %arg8[%swap3A_235, %swap3A_236], %swap3A_239 {add = true, strides = array<i32>} : memref<32x1024xf32, #tpu.memory_space<vmem>>, vector<1x16xf32>,
          %mul3A_240 = arith.constant 4 : i32
          %mul3A_241 = arith.muli %scan3A_106, %mul3A_240 : i32
          %add3A_242 = arith.constant 3 : i32
          %add3A_243 = arith.addi %mul3A_241, %add3A_242 : i32
          %swap3A_244 = arith.index_cast %add3A_243 : i32 to index
          %swap3A_245 = arith.index_cast %mul3A_208 : i32 to index
          %swap3A_246 = tpu.vector_load %arg8[%swap3A_244, %swap3A_245] {strides = array<i32>} : memref<32x1024xf32, #tpu.memory_space<vmem>>, vector<1x16xf32>,
          %swap3A_247 = vector.shape_cast %swap3A_246 : vector<1x16xf32> to vector<16xf32>
          %swap3A_248 = vector.shape_cast %get3A_212 : vector<16xf32> to vector<1x16xf32>
          tpu.vector_store %arg8[%swap3A_244, %swap3A_245], %swap3A_248 {add = true, strides = array<i32>} : memref<32x1024xf32, #tpu.memory_space<vmem>>, vector<1x16xf32>,
          %mul3A_249 = arith.constant 4 : i32
          %mul3A_250 = arith.muli %scan3A_112, %mul3A_249 : i32
          %add3A_251 = arith.constant 3 : i32
          %add3A_252 = arith.addi %mul3A_250, %add3A_251 : i32
          %mul3A_253 = arith.constant 16 : i32
          %mul3A_254 = arith.muli %add3A_252, %mul3A_253 : i32
          %get3A_255 = arith.index_cast %scan3A_106 : i32 to index
          %get3A_256 = arith.index_cast %mul3A_254 : i32 to index
          %get3A_257 = tpu.vector_load %arg10[%get3A_255, %get3A_256] {strides = array<i32>} : memref<8x1024xf32, #tpu.memory_space<vmem>>, vector<1x16xf32>,
          %get3A_258 = vector.shape_cast %get3A_257 : vector<1x16xf32> to vector<16xf32>
          %mul3A_259 = arith.constant 4 : i32
          %mul3A_260 = arith.muli %scan3A_106, %mul3A_259 : i32
          %add3A_261 = arith.constant 0 : i32
          %add3A_262 = arith.addi %mul3A_260, %add3A_261 : i32
          %swap3A_263 = arith.index_cast %add3A_262 : i32 to index
          %swap3A_264 = arith.index_cast %mul3A_254 : i32 to index
          %swap3A_265 = tpu.vector_load %arg8[%swap3A_263, %swap3A_264] {strides = array<i32>} : memref<32x1024xf32, #tpu.memory_space<vmem>>, vector<1x16xf32>,
          %swap3A_266 = vector.shape_cast %swap3A_265 : vector<1x16xf32> to vector<16xf32>
          %swap3A_267 = vector.shape_cast %get3A_258 : vector<16xf32> to vector<1x16xf32>
          tpu.vector_store %arg8[%swap3A_263, %swap3A_264], %swap3A_267 {add = true, strides = array<i32>} : memref<32x1024xf32, #tpu.memory_space<vmem>>, vector<1x16xf32>,
          %mul3A_268 = arith.constant 4 : i32
          %mul3A_269 = arith.muli %scan3A_106, %mul3A_268 : i32
          %add3A_270 = arith.constant 1 : i32
          %add3A_271 = arith.addi %mul3A_269, %add3A_270 : i32
          %swap3A_272 = arith.index_cast %add3A_271 : i32 to index
          %swap3A_273 = arith.index_cast %mul3A_254 : i32 to index
          %swap3A_274 = tpu.vector_load %arg8[%swap3A_272, %swap3A_273] {strides = array<i32>} : memref<32x1024xf32, #tpu.memory_space<vmem>>, vector<1x16xf32>,
          %swap3A_275 = vector.shape_cast %swap3A_274 : vector<1x16xf32> to vector<16xf32>
          %swap3A_276 = vector.shape_cast %get3A_258 : vector<16xf32> to vector<1x16xf32>
          tpu.vector_store %arg8[%swap3A_272, %swap3A_273], %swap3A_276 {add = true, strides = array<i32>} : memref<32x1024xf32, #tpu.memory_space<vmem>>, vector<1x16xf32>,
          %mul3A_277 = arith.constant 4 : i32
          %mul3A_278 = arith.muli %scan3A_106, %mul3A_277 : i32
          %add3A_279 = arith.constant 2 : i32
          %add3A_280 = arith.addi %mul3A_278, %add3A_279 : i32
          %swap3A_281 = arith.index_cast %add3A_280 : i32 to index
          %swap3A_282 = arith.index_cast %mul3A_254 : i32 to index
          %swap3A_283 = tpu.vector_load %arg8[%swap3A_281, %swap3A_282] {strides = array<i32>} : memref<32x1024xf32, #tpu.memory_space<vmem>>, vector<1x16xf32>,
          %swap3A_284 = vector.shape_cast %swap3A_283 : vector<1x16xf32> to vector<16xf32>
          %swap3A_285 = vector.shape_cast %get3A_258 : vector<16xf32> to vector<1x16xf32>
          tpu.vector_store %arg8[%swap3A_281, %swap3A_282], %swap3A_285 {add = true, strides = array<i32>} : memref<32x1024xf32, #tpu.memory_space<vmem>>, vector<1x16xf32>,
          %mul3A_286 = arith.constant 4 : i32
          %mul3A_287 = arith.muli %scan3A_106, %mul3A_286 : i32
          %add3A_288 = arith.constant 3 : i32
          %add3A_289 = arith.addi %mul3A_287, %add3A_288 : i32
          %swap3A_290 = arith.index_cast %add3A_289 : i32 to index
          %swap3A_291 = arith.index_cast %mul3A_254 : i32 to index
          %swap3A_292 = tpu.vector_load %arg8[%swap3A_290, %swap3A_291] {strides = array<i32>} : memref<32x1024xf32, #tpu.memory_space<vmem>>, vector<1x16xf32>,
          %swap3A_293 = vector.shape_cast %swap3A_292 : vector<1x16xf32> to vector<16xf32>
          %swap3A_294 = vector.shape_cast %get3A_258 : vector<16xf32> to vector<1x16xf32>
          tpu.vector_store %arg8[%swap3A_290, %swap3A_291], %swap3A_294 {add = true, strides = array<i32>} : memref<32x1024xf32, #tpu.memory_space<vmem>>, vector<1x16xf32>,
        }
        %scan3A_111 = arith.constant 16 : i32
      }
      %scan3A_96 = arith.constant 8 : i32
      %mul3A_97 = arith.constant 256 : i32
      %mul3A_98 = arith.muli %add3A, %mul3A_97 : i32
      %mul3A_99 = arith.constant 32 : i32
      %mul3A_100 = arith.muli %add3A_71, %mul3A_99 : i32
      %add3A_101 = arith.addi %mul3A_98, %mul3A_100 : i32
      %dma_start3A_102 = arith.constant 0 : i32
      %dma_start3A_103 = tpu.memref_slice %arg5[%add3A_101, %dma_start3A_102] : memref<8192x1024xf32, #tpu.memory_space<hbm>> -> memref<32x1024xf32, #tpu.memory_space<hbm>>
      %dma_start3A_104 = arith.constant 0 : i32
      %dma_start3A_105 = tpu.memref_slice %arg5[%add3A_101, %dma_start3A_104] : memref<8192x1024xf32, #tpu.memory_space<hbm>> -> memref<32x1024xf32, #tpu.memory_space<hbm>>
      tpu.enqueue_dma source(%arg8 : memref<32x1024xf32, #tpu.memory_space<vmem>>) target(%dma_start3A_105 : memref<32x1024xf32, #tpu.memory_space<hbm>>) target_semaphore(%arg16 : memref<!tpu.dma_semaphore, #tpu.memory_space<semaphore_mem>>)
    }
    %scan3A_20 = arith.constant 4 : i32
    %dma_wait3A = arith.constant 0 : i32
    %dma_wait3A_21 = arith.constant 0 : i32
    %dma_wait3A_22 = tpu.memref_slice %arg5[%dma_wait3A, %dma_wait3A_21] : memref<8192x1024xf32, #tpu.memory_space<hbm>> -> memref<32x1024xf32, #tpu.memory_space<hbm>>
    %dma_wait3A_23 = arith.constant 0 : i32
    %dma_wait3A_24 = arith.constant 0 : i32
    %dma_wait3A_25 = tpu.memref_slice %arg5[%dma_wait3A_23, %dma_wait3A_24] : memref<8192x1024xf32, #tpu.memory_space<hbm>> -> memref<32x1024xf32, #tpu.memory_space<hbm>>
    tpu.wait_dma2 semaphore(%arg15 : memref<!tpu.dma_semaphore, #tpu.memory_space<semaphore_mem>>) src(%arg7 : memref<32x1024xf32, #tpu.memory_space<vmem>>) dst(%dma_wait3A_25 : memref<32x1024xf32, #tpu.memory_space<hbm>>)
    %dma_wait3A_26 = arith.constant 0 : i32
    %dma_wait3A_27 = arith.constant 0 : i32
    %dma_wait3A_28 = tpu.memref_slice %arg5[%dma_wait3A_26, %dma_wait3A_27] : memref<8192x1024xf32, #tpu.memory_space<hbm>> -> memref<32x1024xf32, #tpu.memory_space<hbm>>
    %dma_wait3A_29 = arith.constant 0 : i32
    %dma_wait3A_30 = arith.constant 0 : i32
    %dma_wait3A_31 = tpu.memref_slice %arg5[%dma_wait3A_29, %dma_wait3A_30] : memref<8192x1024xf32, #tpu.memory_space<hbm>> -> memref<32x1024xf32, #tpu.memory_space<hbm>>
    tpu.wait_dma2 semaphore(%arg16 : memref<!tpu.dma_semaphore, #tpu.memory_space<semaphore_mem>>) src(%arg8 : memref<32x1024xf32, #tpu.memory_space<vmem>>) dst(%dma_wait3A_31 : memref<32x1024xf32, #tpu.memory_space<hbm>>)
    return
  }
}

</mosaic_0001>

<sc_bundles>
// kernel: kernel.3.cloned.1.call-start
scs
__scs_entry_jumppad:
0x0: {  	(pc) =	sbr.rel $0x88, $3  }
0x1: {  	(tag) =	ssettag $0x0;
	lr =	simm.s32 $0x1  }
0x2: {  	[smem:$0x3F9F] =	sst lr;
	_ =	strace $0xD0000000  }
0x3: {  	_ = 	snop  }
0x4: {  	_ = 	snop  }
0x5: {  	_ = 	snop  }
0x6: {  	_ = 	snop  }
0x7: {  	_ = 	snop  }
__scs_overlays_trampoline_lowered:
0x8: {  	[smem:$0x3FAE] =	sst s0  }
0x9: {  	[smem:$0x3FAF] =	sst s1  }
0xa: {  	[smem:$0x3FB0] =	sst s2  }
0xb: {  	[smem:$0x3FB1] =	sst s3  }
0xc: {  	[smem:$0x3FB2] =	sst s4  }
0xd: {  	[smem:$0x3FB3] =	sst s5  }
0xe: {  	[smem:$0x3FB4] =	sst s6  }
0xf: {  	[smem:$0x3FB5] =	sst s7  }
0x10: {  	[smem:$0x3FB6] =	sst s8  }
0x11: {  	[smem:$0x3FB7] =	sst s9;
	s0 =	simm.s32 @!p0 $0x0  }
0x12: {  	s1 =	sld [smem:$0x3F9D];
	s0 =	simm.s32 @p0 $0x1  }
0x13: {  	[smem:$0x3FB8] =	sst s0;
	s0 =	simm.s32 @!p1 $0x0  }
0x14: {  	s2 =	sld [smem:$0x3F9C];
	s0 =	simm.s32 @p1 $0x1  }
0x15: {  	[smem:$0x3FB9] =	sst s0;
	s0 =	simm.s32 @!p2 $0x0  }
0x16: {  	s3 =	sld [smem:$0x3FDB];
	s0 =	simm.s32 @p2 $0x1  }
0x17: {  	s4 =	simm.s32 $0x1BF5;
	[smem:$0x3FBB] =	sst s0  }
0x18: {  	s0 =	sld [smem:$0x3F9E];
	_ =	swait.ge [sflag:s4], $0x0  }
0x19: {  	s7 =	sld [smem:$0x3F9F]  }
0x1a: {  	s8 =	sadd.s32 $0xFFFFE003, lr  }
0x1b: {  	s9 =	sadd.s32 $0xFFFFFEF7, lr;
	s5 =	simm.s32 $0xFFFFFFFF;
	p2 =	slt.u32 s8, $0xFFFFF086  }
0x1c: {  	p1 =	slt.u32 s9, $0xF7A;
	s5 =	simm.s32 @!p2 $0x0  }
0x1d: {  	s5 =	simm.s32 @p1 $0x1;
	p0 =	seq.s32 s7, s2  }
0x1e: {  	s7 =	smul.u32 @!p0 $0xF7A, s2;
	p2 =	seq.s32 @!p0 s5, $0x0  }
0x1f: {  	s9 =	smul.u32 $0xF7A, s1;
	s8 =	simm.s32 @!p0 $0x1BF5;
	p2 =	por !p2, p0  }
0x20: {  	[sflag:s8] =	ssyncset.s32 @!p0 $0xFFFFF086;
	s6 =	sadd.s32 @!p0 s3, s7;
	s7 =	simm.s32 @!p0 $0x108  }
0x21: {  	s3 =	sadd.s32 s3, s9;
	s6 =	sadd.s32 @!p0 $0x88, s6;
	s7 =	simm.s32 @p2 $0x1082  }
0x22: {  	[simem:s7], [sflag:s8] =	dma.local @!p0 [hbm:s6], $0xF7A  }
0x23: {  	s9 =	sor.u32 $0xD0000000, s2;
	s6 =	simm.s32 $0x108;
	_ =	swait.ge @!p0 [sflag:s8], $0x0  }
0x24: {  	s3 =	sadd.s32 $0x88, s3;
	s6 =	simm.s32 @!p1 $0x1082;
	[sflag:s4] =	ssyncset.s32 $0xFFFFF086  }
0x25: {  	[simem:s6], [sflag:s4] =	dma.local [hbm:s3], $0xF7A  }
0x26: {  	[smem:$0x3F9F] =	sst s1;
	(tag) =	ssettag s2;
	_ =	strace s9  }
0x27: {  	s1 =	sld [smem:$0x3FAF]  }
0x28: {  	s2 =	sld [smem:$0x3FB0]  }
0x29: {  	s4 =	sld [smem:$0x3FB2]  }
0x2a: {  	p0 =	seq.s32 s5, $0x0;
	s5 =	sld [smem:$0x3FB3]  }
0x2b: {  	s6 =	sld [smem:$0x3FB4]  }
0x2c: {  	s7 =	sld [smem:$0x3FB5]  }
0x2d: {  	s3 =	simm.s32 $0x108;
	s8 =	sld [smem:$0x3FB6]  }
0x2e: {  	s3 =	simm.s32 @!p0 $0x1082;
	s9 =	sld [smem:$0x3FB7]  }
0x2f: {  	lr =	sadd.s32 s0, s3;
	s0 =	sld [smem:$0x3FAE]  }
0x30: {  	s3 =	sld [smem:$0x3FB1]  }
0x31: {  	[smem:$0x3FBA] =	sst s10  }
0x32: {  	s10 =	sld [smem:$0x3FB8];
	_ =	sdelay $0x3  }
0x33: {  	p0 =	seq.s32 s10, $0x1;
	s10 =	sld [smem:$0x3FBA];
	_ =	sdelay $0x3  }
0x34: {  	[smem:$0x3FBA] =	sst s10  }
0x35: {  	s10 =	sld [smem:$0x3FB9];
	_ =	sdelay $0x3  }
0x36: {  	p1 =	seq.s32 s10, $0x1;
	s10 =	sld [smem:$0x3FBA];
	_ =	sdelay $0x3  }
0x37: {  	[smem:$0x3FBA] =	sst s10  }
0x38: {  	s10 =	sld [smem:$0x3FBB]  }
0x39: {  	_ = 	snop;
	(pc) =	sbr.ind lr, $3  }
0x3a: {  	_ = 	snop  }
0x3b: {  	_ = 	snop  }
0x3c: {  	p2 =	seq.s32 s10, $0x1;
	s10 =	sld [smem:$0x3FBA]  }
0x3d: {  	_ =	shalt  }
0x3e: {  	_ =	shalt  }
0x3f: {  	_ =	shalt  }
0x40: {  	_ =	shalt  }
0x41: {  	_ =	shalt  }
0x42: {  	_ =	shalt  }
0x43: {  	_ =	shalt  }
0x44: {  	_ =	shalt  }
0x45: {  	_ =	shalt  }
0x46: {  	_ =	shalt  }
0x47: {  	_ =	shalt  }
0x48: {  	_ =	shalt  }
0x49: {  	_ =	shalt  }
0x4a: {  	_ =	shalt  }
0x4b: {  	_ =	shalt  }
0x4c: {  	_ =	shalt  }
0x4d: {  	_ =	shalt  }
0x4e: {  	_ =	shalt  }
0x4f: {  	_ =	shalt  }
0x50: {  	_ =	shalt  }
0x51: {  	_ =	shalt  }
0x52: {  	_ =	shalt  }
0x53: {  	_ =	shalt  }
0x54: {  	_ =	shalt  }
0x55: {  	_ =	shalt  }
0x56: {  	_ =	shalt  }
0x57: {  	_ =	shalt  }
0x58: {  	_ =	shalt  }
0x59: {  	_ =	shalt  }
0x5a: {  	_ =	shalt  }
0x5b: {  	_ =	shalt  }
0x5c: {  	_ =	shalt  }
0x5d: {  	_ =	shalt  }
0x5e: {  	_ =	shalt  }
0x5f: {  	_ =	shalt  }
0x60: {  	_ =	shalt  }
0x61: {  	_ =	shalt  }
0x62: {  	_ =	shalt  }
0x63: {  	_ =	shalt  }
0x64: {  	_ =	shalt  }
0x65: {  	_ =	shalt  }
0x66: {  	_ =	shalt  }
0x67: {  	_ =	shalt  }
0x68: {  	_ =	shalt  }
0x69: {  	_ =	shalt  }
0x6a: {  	_ =	shalt  }
0x6b: {  	_ =	shalt  }
0x6c: {  	_ =	shalt  }
0x6d: {  	_ =	shalt  }
0x6e: {  	_ =	shalt  }
0x6f: {  	_ =	shalt  }
0x70: {  	_ =	shalt  }
0x71: {  	_ =	shalt  }
0x72: {  	_ =	shalt  }
0x73: {  	_ =	shalt  }
0x74: {  	_ =	shalt  }
0x75: {  	_ =	shalt  }
0x76: {  	_ =	shalt  }
0x77: {  	_ =	shalt  }
0x78: {  	_ =	shalt  }
0x79: {  	_ =	shalt  }
0x7a: {  	_ =	shalt  }
0x7b: {  	_ =	shalt  }
0x7c: {  	_ =	shalt  }
0x7d: {  	_ =	shalt  }
0x7e: {  	_ =	shalt  }
0x7f: {  	_ =	shalt  }
0x80: {  	_ =	shalt  }
0x81: {  	_ =	shalt  }
0x82: {  	_ =	shalt  }
0x83: {  	_ =	shalt  }
0x84: {  	_ =	shalt  }
0x85: {  	_ =	shalt  }
0x86: {  	_ =	shalt  }
0x87: {  	_ =	shalt  }
.Lfunc_end0:
.L_simem_size_0:
called_computation_lowered:
.L_overlay_start_0:
0x88: {  	s2 =	sld [smem:$0x3FD9]  }
0x89: {  	s3 =	sld [smem:$0x3FFE];
	_ =	sdelay $0x1  }
0x8a: {  	s1 =	srdreg.scid  }
0x8b: {  	s0 =	sand.u32 $0x1, s1  }
0x8c: {  	s17 =	sshll.u32 s0, $0xA;
	s2 =	sadd.s32 s3, s2  }
0x8d: {  	s2 =	sadd.s32 s2, s17  }
0x8e: {  	[smem:$0x3FC6] =	sst s2  }
0x8f: {  	_ = 	snop  }
0x90: {  	s2 =	sld [smem:$0x3FC8]  }
0x91: {  	s18 =	sld [smem:$0x3FD0];
	(tm) =	ssettm $0x1  }
0x92: {  	s4 =	sld [smem:$0x3FFB];
	_ =	sdelay $0x3  }
0x93: {  	_ =	strace s4  }
0x94: {  	s4 =	sld [smem:$0x3FFC];
	_ =	sdelay $0x3  }
0x95: {  	_ =	strace s4  }
0x96: {  	s4 =	sld [smem:$0x3FFD];
	_ =	sdelay $0x3  }
0x97: {  	_ =	strace s4  }
0x98: {  	_ =	strace $0x8FFFFFFF  }
0x99: {  	s19 =	sld [smem:$0x3FDB];
	_ =	sdelay $0x1  }
0x9a: {  	s5 =	simm.s32 $_scs_section_size  }
0x9b: {  	s6 =	simm.s32 $_size__tile_overlayer_lowered;
	s7 =	simm.s32 $_tile_overlayer_lowered  }
0x9c: {  	s22 =	simm.s32 $0x1BFF;
	s21 =	sshll.u32 s7, $0x1;
	s4 =	sadd.s32 s5, s19  }
0x9d: {  	s8 =	simm.s32 $0x0;
	s20 =	sshll.u32 s6, $0x1;
	s6 =	sadd.s32 s21, s4  }
0x9e: {  	[timem:s8], [sflag:s22] =	dma.local [hbm:s6], s20  }
0x9f: {  	_ =	swait.ge [sflag:s22], s20  }
0xa0: {  	s5 =	ssub.s32 $0x0, s20;
	[sflag:s22] =	ssyncset.done $0x0  }
0xa1: {  	[sflag:s22] =	ssyncadd.s32 s5;
	_ =	sdelay $0x1  }
0xa2: {  	s23 =	simm.s32 $0x1B8B  }
0xa3: {  	_ =	swait.ge [sflag:s23], $0x1  }
0xa4: {  	[sflag:s23] =	ssyncset.done $0x0  }
0xa5: {  	s25 =	simm.s32 $0x1B8E;
	s24 =	sld [smem:$0x3FFE];
	[sflag:s23] =	ssyncadd.s32 $0xFFFFFFFF  }
0xa6: {  	s26 =	simm.s32 $execute0_lowered;
	[smem:$0x3FD2] =	sst s25  }
0xa7: {  	s6 =	sshll.u32 s26, $0x1;
	_ =	strace $0x80000046;
	[dreg:$0x1] =	wrdreg $0xFFFFFFFF  }
0xa8: {  	s28 =	simm.s32 $_size_execute0_lowered;
	s4 =	sadd.s32 s4, s6;
	[dreg:$0x0] =	wrdreg $0x0  }
0xa9: {  	s6 =	sshll.u32 s28, $0x1;
	[dreg:$0x2] =	wrdreg s4  }
0xaa: {  	[dreg:$0x3] =	wrdreg s6  }
0xab: {  	[dreg:$0x4] =	wrdreg $0xC0  }
0xac: {  	_ =	task [dreg:s8], $0x5FFFF  }
0xad: {  	[dreg:$0x1] =	wrdreg $0xFFFFFFFF  }
0xae: {  	[dreg:$0x0] =	wrdreg $0x60  }
0xaf: {  	[dreg:$0x2] =	wrdreg s2  }
0xb0: {  	[dreg:$0x3] =	wrdreg s24  }
0xb1: {  	[dreg:$0x4] =	wrdreg s18  }
0xb2: {  	[dreg:$0x5] =	wrdreg $0x9  }
0xb3: {  	_ =	task.clear_ibuf [dreg:s8], $0x6FFFF;
	_ =	strace $0x90000046  }
0xb4: {  	s29 =	simm.s32 $0x9;
	_ =	strace $0x80000048  }
0xb5: {  	_ =	swait.ge [sflag:s29], $0x1  }
0xb6: {  	[sflag:s29] =	ssyncadd.s32 $0xFFFFFFFF  }
0xb7: {  	_ =	strace $0x90000048  }
0xb8: {  	_ =	sfence  }
0xb9: {  	s30 =	sld [smem:$0x0];
	_ =	sdelay $0x2  }
0xba: {  	s31 =	sshll.u32 s1, $0xD;
	s1 =	sshrl.u32 s1, $0x2  }
0xbb: {  	s3 =	sand.u32 $0x4000, s31;
	s1 =	sadd.s32 s1, s30  }
0xbc: {  	s0 =	sor.u32 s3, s0;
	s1 =	sshll.u32 s1, $0x11  }
0xbd: {  	s0 =	sor.u32 s1, s0  }
0xbe: {  	s0 =	sadd.s32 $0x8F2B, s0  }
0xbf: {  	[sflag:s0] =	ssyncadd.remote.s32 $0x1  }
0xc0: {  	_ =	sfence.sel $0xFFFF  }
0xc1: {  	[dreg:$0x0] =	wrdreg $0xFFFFFFFF;
	(pc) =	sbr.abs _section_cstart, $3  }
0xc2: {  	[dreg:$0x1] =	wrdreg $0xFFFFFFFF  }
0xc3: {  	_ =	task.clear_ibuf [dreg:s8], $0x2FFFF;
	_ =	strace $0x9FFFFFFF  }
0xc4: {  	(tm) =	ssettm $0x7FFFFFFF  }
0xc5: {  	_ =	shalt  }
tec
execute0_lowered:
.L_overlay_start_1:
0x0: {  	(tag) =	ssettag $0x1  }
0x1: {  	s1 =	rddreg [dreg:$0x0]  }
0x2: {  	s0 =	rddreg [dreg:$0x1]  }
0x3: {  	s2 =	rddreg [dreg:$0x2];
	s3 =	simm.s32 $0x0;
	s4 =	srdreg.scid  }
0x4: {  	s5 =	stileid.u32;
	s30 =	simm.s32 $0x1;
	s31 =	simm.s32 $0x3  }
0x5: {  	s25 =	simm.s32 $0x2;
	s28 =	simm.s32 $0x5;
	s10 =	simm.s32 $0x0  }
0x6: {  	[smem:$0x7FF] =	sst s3;
	s4 =	sand.u32 $0x1, s4;
	s5 =	sshll.u32 s5, $0x1  }
0x7: {  	s7 =	sadd.s32 $0x300, s1;
	_ =	strace $0x80000047;
	s8 =	sor.u32 s4, s5  }
0x8: {  	s4 =	ssub.s32 $0x2, s4;
	s5 =	sshll.u32 s8, $0x7;
	s6 =	sshll.u32 s8, $0xF  }
0x9: {  	s26 =	sshrl.u32 s4, $0x1;
	s8 =	sshll.u32 s8, $0xD;
	s5 =	sadd.s32 s5, s0  }
0xa: {  	s0 =	sadd.s32 s6, s0;
	s4 =	ssub.s32 s4, s26;
	s6 =	sadd.s32 $0x200, s1  }
0xb: {  	v2 =	vlaneseq.u32;
	s8 =	sadd.s32 s2, s8;
	s26 =	simm.s32 $0x4;
	s5 =	sadd.s32 $0x400, s5  }
0xc: {  	vm0 =	vmmov $0xffff;
	v1 =	vshrl.u32 v2, $0x3;
	s9 =	sadd.s32 $0x1400, s0;
	s29 =	smax.u32 s4, $0x1;
	[dreg:$0x4] =	wrdreg s5  }
0xd: {  	v0 =	vand.u32 $0x7, v2;
	v2 =	vor.u32 $0x8, v2;
	v1 =	vmul.u32 $0x8, v1;
	s0 =	simm.s32 $0x8400;
	s5 =	sadd.s32 $0x100, s1;
	[dreg:$0x5] =	wrdreg s29  }
.LBB2_1:
0xe: {  	[dreg:$0x6] =	wrdreg s10  }
0xf: {  	s2 =	rddreg [dreg:$0x4];
	s23 =	simm.s32 $0x7  }
0x10: {  	[tilespmem:s3], [sflag:$0x7] =	stream.linear.gather [hbm4b:s2+s3], $0x400, $0x38;
	[tilespmem:$0x14400] =	vst v63  }
0x11: {  	_ =	swait.ge [sflag:s23], $0x400  }
0x12: {  	[sflag:s23] =	ssyncset.done $0x0  }
0x13: {  	[sflag:s23] =	ssyncadd.s32 $0xFFFFFC00  }
0x14: {  	v3 =	vld [tilespmem:$0x0];
	_ =	sdelay $0x4  }
0x15: {  	v4 =	vshll.u32 v3, $0x3  }
0x16: {  	v3 =	vand.u32 $0x7, v3;
	v4 =	vand.u32 $0xFFFFFFC0, v4  }
0x17: {  	v3 =	vor.u32 v3, v4  }
0x18: {  	v4 =	vperm.xlane v3, v0;
	_ =	sdelay $0x1  }
0x19: {  	v4 =	vadd.s32 v1, v4;
	_ =	sdelay $0x3  }
0x1a: {  	s24 =	simm.s32 $0x400  }
0x1b: {  	[tilespmem:s24], [sflag:$0x1] =	stream.indirect_vreg.gather [hbm4b:s1+s3], $0x80, v4, vm0, $0xb8;
	[tilespmem:$0x14400] =	vst v63  }
0x1c: {  	s4 =	simm.s32 $0xC00;
	v3 =	vperm.xlane v3, v2  }
0x1d: {  	[tilespmem:s4], [sflag:$0x1] =	stream.indirect_vreg.gather [hbm4b:s5+s3], $0x80, v4, vm0, $0xb8;
	[tilespmem:$0x14400] =	vst v63  }
0x1e: {  	s10 =	simm.s32 $0x1400;
	v3 =	vadd.s32 v1, v3  }
0x1f: {  	[tilespmem:s10], [sflag:$0x1] =	stream.indirect_vreg.gather [hbm4b:s6+s3], $0x80, v4, vm0, $0xb8;
	[tilespmem:$0x14400] =	vst v63  }
0x20: {  	s11 =	simm.s32 $0x1C00  }
0x21: {  	[tilespmem:s11], [sflag:$0x1] =	stream.indirect_vreg.gather [hbm4b:s7+s3], $0x80, v4, vm0, $0xb8;
	[tilespmem:$0x14400] =	vst v63  }
0x22: {  	s12 =	simm.s32 $0x2400  }
0x23: {  	[tilespmem:s12], [sflag:$0x1] =	stream.indirect_vreg.gather [hbm4b:s1+s3], $0x80, v3, vm0, $0xb8;
	[tilespmem:$0x14400] =	vst v63  }
0x24: {  	s13 =	simm.s32 $0x2C00  }
0x25: {  	[tilespmem:s13], [sflag:$0x1] =	stream.indirect_vreg.gather [hbm4b:s5+s3], $0x80, v3, vm0, $0xb8;
	[tilespmem:$0x14400] =	vst v63  }
0x26: {  	s14 =	simm.s32 $0x3400  }
0x27: {  	[tilespmem:s14], [sflag:$0x1] =	stream.indirect_vreg.gather [hbm4b:s6+s3], $0x80, v3, vm0, $0xb8;
	[tilespmem:$0x14400] =	vst v63  }
0x28: {  	s15 =	simm.s32 $0x3C00  }
0x29: {  	[tilespmem:s15], [sflag:$0x1] =	stream.indirect_vreg.gather [hbm4b:s7+s3], $0x80, v3, vm0, $0xb8;
	[tilespmem:$0x14400] =	vst v63  }
0x2a: {  	v3 =	vld [tilespmem:$0x10];
	_ =	sdelay $0x4  }
0x2b: {  	v63 =	vshll.u32 v3, $0x3  }
0x2c: {  	v3 =	vand.u32 $0x7, v3;
	v4 =	vand.u32 $0xFFFFFFC0, v63  }
0x2d: {  	v3 =	vor.u32 v3, v4  }
0x2e: {  	v4 =	vperm.xlane v3, v0;
	_ =	sdelay $0x1  }
0x2f: {  	v4 =	vadd.s32 v1, v4;
	_ =	sdelay $0x3  }
0x30: {  	s16 =	simm.s32 $0x4400  }
0x31: {  	[tilespmem:s16], [sflag:$0x1] =	stream.indirect_vreg.gather [hbm4b:s1+s3], $0x80, v4, vm0, $0xb8;
	[tilespmem:$0x14400] =	vst v63  }
0x32: {  	s17 =	simm.s32 $0x4C00;
	v3 =	vperm.xlane v3, v2  }
0x33: {  	[tilespmem:s17], [sflag:$0x1] =	stream.indirect_vreg.gather [hbm4b:s5+s3], $0x80, v4, vm0, $0xb8;
	[tilespmem:$0x14400] =	vst v63  }
0x34: {  	s18 =	simm.s32 $0x5400;
	v3 =	vadd.s32 v1, v3  }
0x35: {  	[tilespmem:s18], [sflag:$0x1] =	stream.indirect_vreg.gather [hbm4b:s6+s3], $0x80, v4, vm0, $0xb8;
	[tilespmem:$0x14400] =	vst v63  }
0x36: {  	s19 =	simm.s32 $0x5C00  }
0x37: {  	[tilespmem:s19], [sflag:$0x1] =	stream.indirect_vreg.gather [hbm4b:s7+s3], $0x80, v4, vm0, $0xb8;
	[tilespmem:$0x14400] =	vst v63  }
0x38: {  	s20 =	simm.s32 $0x6400  }
0x39: {  	[tilespmem:s20], [sflag:$0x1] =	stream.indirect_vreg.gather [hbm4b:s1+s3], $0x80, v3, vm0, $0xb8;
	[tilespmem:$0x14400] =	vst v63  }
0x3a: {  	s21 =	simm.s32 $0x6C00  }
0x3b: {  	[tilespmem:s21], [sflag:$0x1] =	stream.indirect_vreg.gather [hbm4b:s5+s3], $0x80, v3, vm0, $0xb8;
	[tilespmem:$0x14400] =	vst v63  }
0x3c: {  	s22 =	simm.s32 $0x7400  }
0x3d: {  	[tilespmem:s22], [sflag:$0x1] =	stream.indirect_vreg.gather [hbm4b:s6+s3], $0x80, v3, vm0, $0xb8;
	[tilespmem:$0x14400] =	vst v63  }
0x3e: {  	s23 =	simm.s32 $0x7C00  }
0x3f: {  	[tilespmem:s23], [sflag:$0x1] =	stream.indirect_vreg.gather [hbm4b:s7+s3], $0x80, v3, vm0, $0xb8;
	[tilespmem:$0x14400] =	vst v63  }
0x40: {  	s29 =	simm.s32 $0x0;
	s24 =	simm.s32 $0x10400  }
0x41: {  	[tilespmem:s24], [sflag:$0x3] =	stream.linear.gather [hbm4b:s8+s3], $0x2000, $0x38;
	[tilespmem:$0x14400] =	vst v63  }
.LBB2_2:
0x42: {  	_ =	swait.ge [sflag:s30], $0x8000  }
0x43: {  	[sflag:s30] =	ssyncset.done $0x0  }
0x44: {  	[sflag:s30] =	ssyncadd.s32 $0xFFFF8000  }
0x45: {  	_ =	swait.ge [sflag:s31], $0x2000  }
0x46: {  	p0 =	seq.s32 s29, $0x0;
	[sflag:s31] =	ssyncset.done $0x0  }
0x47: {  	s4 =	simm.s32 @!p0 $0x6;
	[sflag:s31] =	ssyncadd.s32 $0xFFFFE000  }
0x48: {  	s2 =	sshllo.u32 s29, $0x1;
	_ =	swait.ge @!p0 [sflag:s4], $0x8000  }
0x49: {  	s10 =	sshll.u32 s2, $0x7;
	[sflag:s4] =	ssyncset.done @!p0 $0x0  }
0x4a: {  	s10 =	sand.u32 $0x3FFFFF80, s10;
	[sflag:s4] =	ssyncadd.s32 @!p0 $0xFFFF8000  }
0x4b: {  	v3 =	vld [tilespmem:s10+$0x0];
	_ =	sdelay $0x4  }
0x4c: {  	v4 =	vshll.u32 v3, $0x3  }
0x4d: {  	v3 =	vand.u32 $0x7, v3;
	v4 =	vand.u32 $0xFFFFFFC0, v4  }
0x4e: {  	v3 =	vor.u32 v3, v4  }
0x4f: {  	v4 =	vperm.xlane v3, v0;
	_ =	sdelay $0x1  }
0x50: {  	v4 =	vadd.s32 v1, v4;
	_ =	sdelay $0x3  }
0x51: {  	s4 =	simm.s32 $0x0  }
0x52: {  	[tilespmem:s0], [sflag:$0x2] =	stream.indirect_vreg.gather [hbm4b:s1+s4], $0x80, v4, vm0, $0xb8;
	[tilespmem:$0x14400] =	vst v63  }
0x53: {  	s11 =	simm.s32 $0x8C00;
	v3 =	vperm.xlane v3, v2  }
0x54: {  	[tilespmem:s11], [sflag:$0x2] =	stream.indirect_vreg.gather [hbm4b:s5+s4], $0x80, v4, vm0, $0xb8;
	[tilespmem:$0x14400] =	vst v63  }
0x55: {  	s22 =	simm.s32 $0x9400;
	v3 =	vadd.s32 v1, v3  }
0x56: {  	[tilespmem:s22], [sflag:$0x2] =	stream.indirect_vreg.gather [hbm4b:s6+s4], $0x80, v4, vm0, $0xb8;
	[tilespmem:$0x14400] =	vst v63  }
0x57: {  	s23 =	simm.s32 $0x9C00  }
0x58: {  	[tilespmem:s23], [sflag:$0x2] =	stream.indirect_vreg.gather [hbm4b:s7+s4], $0x80, v4, vm0, $0xb8;
	[tilespmem:$0x14400] =	vst v63  }
0x59: {  	s24 =	simm.s32 $0xA400  }
0x5a: {  	[tilespmem:s24], [sflag:$0x2] =	stream.indirect_vreg.gather [hbm4b:s1+s4], $0x80, v3, vm0, $0xb8;
	[tilespmem:$0x14400] =	vst v63  }
0x5b: {  	s12 =	simm.s32 $0xAC00  }
0x5c: {  	[tilespmem:s12], [sflag:$0x2] =	stream.indirect_vreg.gather [hbm4b:s5+s4], $0x80, v3, vm0, $0xb8;
	[tilespmem:$0x14400] =	vst v63  }
0x5d: {  	s13 =	simm.s32 $0xB400  }
0x5e: {  	[tilespmem:s13], [sflag:$0x2] =	stream.indirect_vreg.gather [hbm4b:s6+s4], $0x80, v3, vm0, $0xb8;
	[tilespmem:$0x14400] =	vst v63  }
0x5f: {  	s14 =	simm.s32 $0xBC00  }
0x60: {  	[tilespmem:s14], [sflag:$0x2] =	stream.indirect_vreg.gather [hbm4b:s7+s4], $0x80, v3, vm0, $0xb8;
	[tilespmem:$0x14400] =	vst v63  }
0x61: {  	v3 =	vld [tilespmem:s10+$0x10];
	_ =	sdelay $0x4  }
0x62: {  	v63 =	vshll.u32 v3, $0x3  }
0x63: {  	v3 =	vand.u32 $0x7, v3;
	v4 =	vand.u32 $0xFFFFFFC0, v63  }
0x64: {  	v3 =	vor.u32 v3, v4  }
0x65: {  	v4 =	vperm.xlane v3, v0;
	_ =	sdelay $0x1  }
0x66: {  	v4 =	vadd.s32 v1, v4;
	_ =	sdelay $0x3  }
0x67: {  	s15 =	simm.s32 $0xC400  }
0x68: {  	[tilespmem:s15], [sflag:$0x2] =	stream.indirect_vreg.gather [hbm4b:s1+s4], $0x80, v4, vm0, $0xb8;
	[tilespmem:$0x14400] =	vst v63  }
0x69: {  	s16 =	simm.s32 $0xCC00;
	v3 =	vperm.xlane v3, v2  }
0x6a: {  	[tilespmem:s16], [sflag:$0x2] =	stream.indirect_vreg.gather [hbm4b:s5+s4], $0x80, v4, vm0, $0xb8;
	[tilespmem:$0x14400] =	vst v63  }
0x6b: {  	s17 =	simm.s32 $0xD400;
	v3 =	vadd.s32 v1, v3  }
0x6c: {  	[tilespmem:s17], [sflag:$0x2] =	stream.indirect_vreg.gather [hbm4b:s6+s4], $0x80, v4, vm0, $0xb8;
	[tilespmem:$0x14400] =	vst v63  }
0x6d: {  	s18 =	simm.s32 $0xDC00  }
0x6e: {  	[tilespmem:s18], [sflag:$0x2] =	stream.indirect_vreg.gather [hbm4b:s7+s4], $0x80, v4, vm0, $0xb8;
	[tilespmem:$0x14400] =	vst v63  }
0x6f: {  	s19 =	simm.s32 $0xE400  }
0x70: {  	[tilespmem:s19], [sflag:$0x2] =	stream.indirect_vreg.gather [hbm4b:s1+s4], $0x80, v3, vm0, $0xb8;
	[tilespmem:$0x14400] =	vst v63  }
0x71: {  	s20 =	simm.s32 $0xEC00  }
0x72: {  	[tilespmem:s20], [sflag:$0x2] =	stream.indirect_vreg.gather [hbm4b:s5+s4], $0x80, v3, vm0, $0xb8;
	[tilespmem:$0x14400] =	vst v63  }
0x73: {  	s21 =	simm.s32 $0xF400  }
0x74: {  	[tilespmem:s21], [sflag:$0x2] =	stream.indirect_vreg.gather [hbm4b:s6+s4], $0x80, v3, vm0, $0xb8;
	[tilespmem:$0x14400] =	vst v63  }
0x75: {  	s22 =	simm.s32 $0xFC00;
	s23 =	sshll.u32 s2, $0xA  }
0x76: {  	[tilespmem:s22], [sflag:$0x2] =	stream.indirect_vreg.gather [hbm4b:s7+s4], $0x80, v3, vm0, $0xb8;
	[tilespmem:$0x14400] =	vst v63  }
0x77: {  	s24 =	simm.s32 $0x12400;
	s10 =	sadd.s32 s23, s8  }
0x78: {  	[tilespmem:s24], [sflag:$0x4] =	stream.linear.gather [hbm4b:s10+s4], $0x2000, $0x38;
	[tilespmem:$0x14400] =	vst v63  }
0x79: {  	s11 =	simm.s32 $0x0;
	s10 =	sshll.u32 s29, $0x1  }
.LBB2_3:
0x7a: {  	s14 =	sshll.u32 s11, $0x9  }
0x7b: {  	s13 =	sshrl.u32 s14, $0x2  }
0x7c: {  	s15 =	sand.u32 $0x1C00, s4;
	s13 =	sadd.s32 $0x10400, s13  }
0x7d: {  	s16 =	sand.u32 $0x40, s4;
	s17 =	sadd.s32 s15, s13  }
0x7e: {  	s18 =	sshll.u32 s11, $0xC;
	s19 =	sadd.s32 s16, s17  }
0x7f: {  	s18 =	sand.u32 $0x6000, s18;
	s14 =	sand.u32 $0x200, s14;
	v3 =	vld [tilespmem:s19+$0x0]  }
0x80: {  	s14 =	sor.u32 s14, s18  }
0x81: {  	s14 =	sor.u32 $0x400, s14  }
0x82: {  	s15 =	sadd.s32 s15, s14  }
0x83: {  	s20 =	sadd.s32 s16, s15;
	s19 =	sadd.s32 $0x80, s15  }
0x84: {  	s21 =	sadd.s32 s16, s19;
	[tilespmem:s20+$0x0] =	vst.add.f32.msk $0xffff, v3;
	s20 =	sadd.s32 $0x100, s15  }
0x85: {  	[tilespmem:s21+$0x0] =	vst.add.f32.msk $0xffff, v3;
	s22 =	sadd.s32 s16, s20;
	s21 =	sadd.s32 $0x180, s15  }
0x86: {  	[tilespmem:s22+$0x0] =	vst.add.f32.msk $0xffff, v3;
	s23 =	sadd.s32 s16, s21;
	s22 =	sor.u32 $0x10, s16  }
0x87: {  	[tilespmem:s23+$0x0] =	vst.add.f32.msk $0xffff, v3;
	s24 =	sadd.s32 s22, s17  }
0x88: {  	v3 =	vld [tilespmem:s24+$0x0];
	_ =	sdelay $0x3  }
0x89: {  	s12 =	sadd.s32 s22, s15  }
0x8a: {  	s23 =	sadd.s32 s22, s19;
	[tilespmem:s12+$0x0] =	vst.add.f32.msk $0xffff, v3  }
0x8b: {  	s24 =	sadd.s32 s22, s20;
	[tilespmem:s23+$0x0] =	vst.add.f32.msk $0xffff, v3  }
0x8c: {  	s12 =	sadd.s32 s22, s21;
	s22 =	sor.u32 $0x20, s16;
	[tilespmem:s24+$0x0] =	vst.add.f32.msk $0xffff, v3  }
0x8d: {  	s23 =	sadd.s32 s22, s17;
	[tilespmem:s12+$0x0] =	vst.add.f32.msk $0xffff, v3  }
0x8e: {  	v3 =	vld [tilespmem:s23+$0x0];
	_ =	sdelay $0x3  }
0x8f: {  	s24 =	sadd.s32 s22, s15  }
0x90: {  	s12 =	sadd.s32 s22, s19;
	[tilespmem:s24+$0x0] =	vst.add.f32.msk $0xffff, v3  }
0x91: {  	s23 =	sadd.s32 s22, s20;
	[tilespmem:s12+$0x0] =	vst.add.f32.msk $0xffff, v3  }
0x92: {  	s24 =	sadd.s32 s22, s21;
	s12 =	sor.u32 $0x30, s16;
	[tilespmem:s23+$0x0] =	vst.add.f32.msk $0xffff, v3  }
0x93: {  	s16 =	sadd.s32 s12, s17;
	[tilespmem:s24+$0x0] =	vst.add.f32.msk $0xffff, v3  }
0x94: {  	v3 =	vld [tilespmem:s16+$0x0];
	_ =	sdelay $0x3  }
0x95: {  	s18 =	simm.s32 $0x80;
	s15 =	sadd.s32 s12, s15  }
0x96: {  	s23 =	simm.s32 $0x40;
	s24 =	sadd.s32 s12, s19;
	s19 =	simm.s32 $0x200;
	[tilespmem:s15+$0x0] =	vst.add.f32.msk $0xffff, v3  }
0x97: {  	s20 =	sadd.s32 s12, s20;
	s16 =	sand.u32 $0x40, s23;
	s23 =	sand.u32 $0x1C00, s19;
	[tilespmem:s24+$0x0] =	vst.add.f32.msk $0xffff, v3  }
0x98: {  	s17 =	sadd.s32 s23, s13;
	s15 =	sadd.s32 s23, s14;
	[tilespmem:s20+$0x0] =	vst.add.f32.msk $0xffff, v3;
	s20 =	sadd.s32 s12, s21  }
.LBB2_4:
0x99: {  	p0 =	sne.s32 s18, $0x3C0  }
0x9a: {  	s21 =	sadd.s32 s16, s17;
	[tilespmem:s20+$0x0] =	vst.add.f32.msk $0xffff, v3;
	s20 =	smov.u32 s18;
	s18 =	sadd.s32 $0x40, s18  }
0x9b: {  	v3 =	vld [tilespmem:s21+$0x0];
	_ =	sdelay $0x3  }
0x9c: {  	s23 =	sadd.s32 $0x80, s15;
	s21 =	sadd.s32 s16, s15  }
0x9d: {  	s22 =	sadd.s32 $0x100, s15;
	[tilespmem:s21+$0x0] =	vst.add.f32.msk $0xffff, v3;
	s21 =	sadd.s32 s16, s23  }
0x9e: {  	s24 =	sadd.s32 s16, s22;
	[tilespmem:s21+$0x0] =	vst.add.f32.msk $0xffff, v3;
	s21 =	sadd.s32 $0x180, s15  }
0x9f: {  	s12 =	sor.u32 $0x10, s16;
	[tilespmem:s24+$0x0] =	vst.add.f32.msk $0xffff, v3;
	s24 =	sadd.s32 s16, s21  }
0xa0: {  	[tilespmem:s24+$0x0] =	vst.add.f32.msk $0xffff, v3;
	s24 =	sadd.s32 s12, s17  }
0xa1: {  	v3 =	vld [tilespmem:s24+$0x0];
	_ =	sdelay $0x3  }
0xa2: {  	s24 =	sadd.s32 s12, s15  }
0xa3: {  	[tilespmem:s24+$0x0] =	vst.add.f32.msk $0xffff, v3;
	s24 =	sadd.s32 s12, s23  }
0xa4: {  	[tilespmem:s24+$0x0] =	vst.add.f32.msk $0xffff, v3;
	s24 =	sadd.s32 s12, s22  }
0xa5: {  	s12 =	sadd.s32 s12, s21;
	[tilespmem:s24+$0x0] =	vst.add.f32.msk $0xffff, v3;
	s24 =	sor.u32 $0x20, s16  }
0xa6: {  	[tilespmem:s12+$0x0] =	vst.add.f32.msk $0xffff, v3;
	s12 =	sadd.s32 s24, s17  }
0xa7: {  	v3 =	vld [tilespmem:s12+$0x0];
	_ =	sdelay $0x3  }
0xa8: {  	s12 =	sadd.s32 s24, s15  }
0xa9: {  	[tilespmem:s12+$0x0] =	vst.add.f32.msk $0xffff, v3;
	s12 =	sadd.s32 s24, s23  }
0xaa: {  	[tilespmem:s12+$0x0] =	vst.add.f32.msk $0xffff, v3;
	s12 =	sadd.s32 s24, s22  }
0xab: {  	[tilespmem:s12+$0x0] =	vst.add.f32.msk $0xffff, v3;
	s12 =	sadd.s32 s24, s21;
	s24 =	sor.u32 $0x30, s16  }
0xac: {  	[tilespmem:s12+$0x0] =	vst.add.f32.msk $0xffff, v3;
	s12 =	sadd.s32 s24, s17  }
0xad: {  	v3 =	vld [tilespmem:s12+$0x0];
	_ =	sdelay $0x2  }
.Ltmp0:
0xae: {  	(pc) =	sbr.rel @p0 .LBB2_4-.Ltmp0, $4  }
0xaf: {  	s12 =	sadd.s32 s24, s15  }
0xb0: {  	s19 =	sadd.s32 $0x200, s19;
	[tilespmem:s12+$0x0] =	vst.add.f32.msk $0xffff, v3;
	s12 =	sadd.s32 s24, s23  }
0xb1: {  	s16 =	sand.u32 $0x40, s20;
	s15 =	sand.u32 $0x1C00, s19;
	[tilespmem:s12+$0x0] =	vst.add.f32.msk $0xffff, v3;
	s12 =	sadd.s32 s24, s22  }
0xb2: {  	s20 =	sadd.s32 s24, s21;
	s17 =	sadd.s32 s15, s13;
	s15 =	sadd.s32 s15, s14;
	[tilespmem:s12+$0x0] =	vst.add.f32.msk $0xffff, v3  }
0xb3: {  	s12 =	sadd.s32 s16, s17;
	[tilespmem:s20+$0x0] =	vst.add.f32.msk $0xffff, v3  }
0xb4: {  	v3 =	vld [tilespmem:s12+$0x0];
	_ =	sdelay $0x3  }
0xb5: {  	s20 =	sadd.s32 s16, s15;
	s13 =	sadd.s32 $0x80, s15  }
0xb6: {  	s14 =	sadd.s32 $0x100, s15;
	s21 =	sadd.s32 s16, s13;
	[tilespmem:s20+$0x0] =	vst.add.f32.msk $0xffff, v3  }
0xb7: {  	s18 =	sadd.s32 $0x180, s15;
	s22 =	sadd.s32 s16, s14;
	[tilespmem:s21+$0x0] =	vst.add.f32.msk $0xffff, v3  }
0xb8: {  	s19 =	sor.u32 $0x10, s16;
	s23 =	sadd.s32 s16, s18;
	[tilespmem:s22+$0x0] =	vst.add.f32.msk $0xffff, v3  }
0xb9: {  	s24 =	sadd.s32 s19, s17;
	[tilespmem:s23+$0x0] =	vst.add.f32.msk $0xffff, v3  }
0xba: {  	v3 =	vld [tilespmem:s24+$0x0];
	_ =	sdelay $0x3  }
0xbb: {  	s20 =	sadd.s32 s19, s15  }
0xbc: {  	s21 =	sadd.s32 s19, s13;
	[tilespmem:s20+$0x0] =	vst.add.f32.msk $0xffff, v3  }
0xbd: {  	s22 =	sadd.s32 s19, s14;
	[tilespmem:s21+$0x0] =	vst.add.f32.msk $0xffff, v3  }
0xbe: {  	s23 =	sadd.s32 s19, s18;
	s24 =	sor.u32 $0x20, s16;
	[tilespmem:s22+$0x0] =	vst.add.f32.msk $0xffff, v3  }
0xbf: {  	s20 =	sadd.s32 s24, s17;
	[tilespmem:s23+$0x0] =	vst.add.f32.msk $0xffff, v3  }
0xc0: {  	v3 =	vld [tilespmem:s20+$0x0];
	_ =	sdelay $0x3  }
0xc1: {  	s21 =	sadd.s32 s24, s15  }
0xc2: {  	s22 =	sadd.s32 s24, s13;
	[tilespmem:s21+$0x0] =	vst.add.f32.msk $0xffff, v3  }
0xc3: {  	s23 =	sadd.s32 s24, s14;
	[tilespmem:s22+$0x0] =	vst.add.f32.msk $0xffff, v3  }
0xc4: {  	s19 =	sor.u32 $0x30, s16;
	s24 =	sadd.s32 s24, s18;
	[tilespmem:s23+$0x0] =	vst.add.f32.msk $0xffff, v3  }
0xc5: {  	s20 =	sadd.s32 s19, s17;
	[tilespmem:s24+$0x0] =	vst.add.f32.msk $0xffff, v3  }
0xc6: {  	v3 =	vld [tilespmem:s20+$0x0];
	_ =	sdelay $0x1  }
0xc7: {  	s11 =	sadd.s32 $0x1, s11  }
0xc8: {  	p0 =	sne.s32 s11, $0x8  }
.Ltmp1:
0xc9: {  	s21 =	sadd.s32 s19, s15;
	(pc) =	sbr.rel @p0 .LBB2_3-.Ltmp1, $4  }
0xca: {  	s22 =	sadd.s32 s19, s13;
	[tilespmem:s21+$0x0] =	vst.add.f32.msk $0xffff, v3  }
0xcb: {  	s23 =	sadd.s32 s19, s14;
	[tilespmem:s22+$0x0] =	vst.add.f32.msk $0xffff, v3  }
0xcc: {  	s24 =	sadd.s32 s19, s18;
	[tilespmem:s23+$0x0] =	vst.add.f32.msk $0xffff, v3  }
0xcd: {  	[tilespmem:s24+$0x0] =	vst.add.f32.msk $0xffff, v3  }
0xce: {  	s4 =	sshll.u32 s29, $0xD  }
0xcf: {  	s11 =	simm.s32 $0x400;
	s4 =	sadd.s32 s4, s9  }
0xd0: {  	[hbm4b:s4+s3] =	stream.linear.scatter [tilespmem:s11], [sflag:$0x5], $0x8000, $0x38;
	[tilespmem:$0x14400] =	vst v63  }
0xd1: {  	p0 =	seq.s32 s29, $0x3;
	_ =	swait.ge [sflag:s25], $0x8000  }
.Ltmp2:
0xd2: {  	[sflag:s25] =	ssyncset.done $0x0;
	(pc) =	sbr.rel @p0 .LBB2_8-.Ltmp2, $4  }
0xd3: {  	[sflag:s25] =	ssyncadd.s32 $0xFFFF8000  }
0xd4: {  	_ =	swait.ge [sflag:s26], $0x2000  }
0xd5: {  	[sflag:s26] =	ssyncset.done $0x0  }
0xd6: {  	[sflag:s26] =	ssyncadd.s32 $0xFFFFE000  }
0xd7: {  	s4 =	sadd.s32 $0x2, s10;
	_ =	swait.ge [sflag:s28], $0x8000  }
0xd8: {  	[sflag:s28] =	ssyncset.done $0x0;
	s10 =	sshll.u32 s4, $0x7  }
0xd9: {  	[sflag:s28] =	ssyncadd.s32 $0xFFFF8000;
	s10 =	sand.u32 $0x3FFFFF80, s10  }
0xda: {  	v3 =	vld [tilespmem:s10+$0x0];
	_ =	sdelay $0x4  }
0xdb: {  	v4 =	vshll.u32 v3, $0x3  }
0xdc: {  	v3 =	vand.u32 $0x7, v3;
	v4 =	vand.u32 $0xFFFFFFC0, v4  }
0xdd: {  	v3 =	vor.u32 v3, v4  }
0xde: {  	v4 =	vperm.xlane v3, v0;
	_ =	sdelay $0x1  }
0xdf: {  	v4 =	vadd.s32 v1, v4;
	_ =	sdelay $0x3  }
0xe0: {  	s11 =	simm.s32 $0x400  }
0xe1: {  	[tilespmem:s11], [sflag:$0x1] =	stream.indirect_vreg.gather [hbm4b:s1+s3], $0x80, v4, vm0, $0xb8;
	[tilespmem:$0x14400] =	vst v63  }
0xe2: {  	s22 =	simm.s32 $0xC00;
	v3 =	vperm.xlane v3, v2  }
0xe3: {  	[tilespmem:s22], [sflag:$0x1] =	stream.indirect_vreg.gather [hbm4b:s5+s3], $0x80, v4, vm0, $0xb8;
	[tilespmem:$0x14400] =	vst v63  }
0xe4: {  	s23 =	simm.s32 $0x1400;
	v3 =	vadd.s32 v1, v3  }
0xe5: {  	[tilespmem:s23], [sflag:$0x1] =	stream.indirect_vreg.gather [hbm4b:s6+s3], $0x80, v4, vm0, $0xb8;
	[tilespmem:$0x14400] =	vst v63  }
0xe6: {  	s24 =	simm.s32 $0x1C00  }
0xe7: {  	[tilespmem:s24], [sflag:$0x1] =	stream.indirect_vreg.gather [hbm4b:s7+s3], $0x80, v4, vm0, $0xb8;
	[tilespmem:$0x14400] =	vst v63  }
0xe8: {  	s12 =	simm.s32 $0x2400  }
0xe9: {  	[tilespmem:s12], [sflag:$0x1] =	stream.indirect_vreg.gather [hbm4b:s1+s3], $0x80, v3, vm0, $0xb8;
	[tilespmem:$0x14400] =	vst v63  }
0xea: {  	s13 =	simm.s32 $0x2C00  }
0xeb: {  	[tilespmem:s13], [sflag:$0x1] =	stream.indirect_vreg.gather [hbm4b:s5+s3], $0x80, v3, vm0, $0xb8;
	[tilespmem:$0x14400] =	vst v63  }
0xec: {  	s14 =	simm.s32 $0x3400  }
0xed: {  	[tilespmem:s14], [sflag:$0x1] =	stream.indirect_vreg.gather [hbm4b:s6+s3], $0x80, v3, vm0, $0xb8;
	[tilespmem:$0x14400] =	vst v63  }
0xee: {  	s15 =	simm.s32 $0x3C00  }
0xef: {  	[tilespmem:s15], [sflag:$0x1] =	stream.indirect_vreg.gather [hbm4b:s7+s3], $0x80, v3, vm0, $0xb8;
	[tilespmem:$0x14400] =	vst v63  }
0xf0: {  	v3 =	vld [tilespmem:s10+$0x10];
	_ =	sdelay $0x4  }
0xf1: {  	v63 =	vshll.u32 v3, $0x3  }
0xf2: {  	v3 =	vand.u32 $0x7, v3;
	v4 =	vand.u32 $0xFFFFFFC0, v63  }
0xf3: {  	v3 =	vor.u32 v3, v4  }
0xf4: {  	v4 =	vperm.xlane v3, v0;
	_ =	sdelay $0x1  }
0xf5: {  	v4 =	vadd.s32 v1, v4;
	_ =	sdelay $0x3  }
0xf6: {  	s16 =	simm.s32 $0x4400  }
0xf7: {  	[tilespmem:s16], [sflag:$0x1] =	stream.indirect_vreg.gather [hbm4b:s1+s3], $0x80, v4, vm0, $0xb8;
	[tilespmem:$0x14400] =	vst v63  }
0xf8: {  	s17 =	simm.s32 $0x4C00;
	v3 =	vperm.xlane v3, v2  }
0xf9: {  	[tilespmem:s17], [sflag:$0x1] =	stream.indirect_vreg.gather [hbm4b:s5+s3], $0x80, v4, vm0, $0xb8;
	[tilespmem:$0x14400] =	vst v63  }
0xfa: {  	s18 =	simm.s32 $0x5400;
	v3 =	vadd.s32 v1, v3  }
0xfb: {  	[tilespmem:s18], [sflag:$0x1] =	stream.indirect_vreg.gather [hbm4b:s6+s3], $0x80, v4, vm0, $0xb8;
	[tilespmem:$0x14400] =	vst v63  }
0xfc: {  	s19 =	simm.s32 $0x5C00  }
0xfd: {  	[tilespmem:s19], [sflag:$0x1] =	stream.indirect_vreg.gather [hbm4b:s7+s3], $0x80, v4, vm0, $0xb8;
	[tilespmem:$0x14400] =	vst v63  }
0xfe: {  	s20 =	simm.s32 $0x6400  }
0xff: {  	[tilespmem:s20], [sflag:$0x1] =	stream.indirect_vreg.gather [hbm4b:s1+s3], $0x80, v3, vm0, $0xb8;
	[tilespmem:$0x14400] =	vst v63  }
0x100: {  	s21 =	simm.s32 $0x6C00  }
0x101: {  	[tilespmem:s21], [sflag:$0x1] =	stream.indirect_vreg.gather [hbm4b:s5+s3], $0x80, v3, vm0, $0xb8;
	[tilespmem:$0x14400] =	vst v63  }
0x102: {  	s22 =	simm.s32 $0x7400  }
0x103: {  	[tilespmem:s22], [sflag:$0x1] =	stream.indirect_vreg.gather [hbm4b:s6+s3], $0x80, v3, vm0, $0xb8;
	[tilespmem:$0x14400] =	vst v63  }
0x104: {  	s4 =	sshll.u32 s4, $0xA;
	s23 =	simm.s32 $0x7C00  }
0x105: {  	[tilespmem:s23], [sflag:$0x1] =	stream.indirect_vreg.gather [hbm4b:s7+s3], $0x80, v3, vm0, $0xb8;
	[tilespmem:$0x14400] =	vst v63  }
0x106: {  	s4 =	sadd.s32 s4, s8;
	s24 =	simm.s32 $0x10400  }
0x107: {  	[tilespmem:s24], [sflag:$0x3] =	stream.linear.gather [hbm4b:s4+s3], $0x2000, $0x38;
	[tilespmem:$0x14400] =	vst v63  }
.LBB2_8:
0x108: {  	s4 =	simm.s32 $0x0;
	s10 =	simm.s32 $0x0  }
.LBB2_9:
0x109: {  	s12 =	sshll.u32 s10, $0x9  }
0x10a: {  	s11 =	sshrl.u32 s12, $0x2  }
0x10b: {  	s14 =	sand.u32 $0x1C00, s4;
	s11 =	sadd.s32 $0x12400, s11  }
0x10c: {  	s15 =	sand.u32 $0x40, s4;
	s16 =	sadd.s32 s14, s11  }
0x10d: {  	s13 =	sshll.u32 s10, $0xC;
	s17 =	sadd.s32 s15, s16  }
0x10e: {  	s13 =	sand.u32 $0x6000, s13;
	s12 =	sand.u32 $0x200, s12;
	v3 =	vld [tilespmem:s17+$0x0]  }
0x10f: {  	s12 =	sor.u32 s12, s13  }
0x110: {  	s13 =	sor.u32 $0x8400, s12  }
0x111: {  	s12 =	sadd.s32 s14, s13  }
0x112: {  	s14 =	sadd.s32 s15, s12;
	s18 =	sadd.s32 $0x80, s12  }
0x113: {  	s19 =	sadd.s32 $0x100, s12;
	s20 =	sadd.s32 s15, s18;
	[tilespmem:s14+$0x0] =	vst.add.f32.msk $0xffff, v3  }
0x114: {  	s21 =	sadd.s32 s15, s19;
	[tilespmem:s20+$0x0] =	vst.add.f32.msk $0xffff, v3;
	s20 =	sadd.s32 $0x180, s12  }
0x115: {  	s17 =	sor.u32 $0x10, s15;
	[tilespmem:s21+$0x0] =	vst.add.f32.msk $0xffff, v3;
	s22 =	sadd.s32 s15, s20  }
0x116: {  	s23 =	sadd.s32 s17, s16;
	[tilespmem:s22+$0x0] =	vst.add.f32.msk $0xffff, v3  }
0x117: {  	v3 =	vld [tilespmem:s23+$0x0];
	_ =	sdelay $0x3  }
0x118: {  	s24 =	sadd.s32 s17, s12  }
0x119: {  	s21 =	sadd.s32 s17, s18;
	[tilespmem:s24+$0x0] =	vst.add.f32.msk $0xffff, v3  }
0x11a: {  	s22 =	sadd.s32 s17, s19;
	[tilespmem:s21+$0x0] =	vst.add.f32.msk $0xffff, v3  }
0x11b: {  	s23 =	sadd.s32 s17, s20;
	s17 =	sor.u32 $0x20, s15;
	[tilespmem:s22+$0x0] =	vst.add.f32.msk $0xffff, v3  }
0x11c: {  	s24 =	sadd.s32 s17, s16;
	[tilespmem:s23+$0x0] =	vst.add.f32.msk $0xffff, v3  }
0x11d: {  	v3 =	vld [tilespmem:s24+$0x0];
	_ =	sdelay $0x3  }
0x11e: {  	s21 =	sadd.s32 s17, s12  }
0x11f: {  	s22 =	sadd.s32 s17, s18;
	[tilespmem:s21+$0x0] =	vst.add.f32.msk $0xffff, v3  }
0x120: {  	s23 =	sadd.s32 s17, s19;
	[tilespmem:s22+$0x0] =	vst.add.f32.msk $0xffff, v3  }
0x121: {  	s24 =	sadd.s32 s17, s20;
	s21 =	sor.u32 $0x30, s15;
	[tilespmem:s23+$0x0] =	vst.add.f32.msk $0xffff, v3  }
0x122: {  	s15 =	sadd.s32 s21, s16;
	[tilespmem:s24+$0x0] =	vst.add.f32.msk $0xffff, v3  }
0x123: {  	v3 =	vld [tilespmem:s15+$0x0];
	_ =	sdelay $0x3  }
0x124: {  	s12 =	sadd.s32 s21, s12;
	s22 =	sadd.s32 s21, s18;
	s18 =	simm.s32 $0x200  }
0x125: {  	s17 =	simm.s32 $0x80;
	s23 =	sand.u32 $0x1C00, s18;
	[tilespmem:s12+$0x0] =	vst.add.f32.msk $0xffff, v3  }
0x126: {  	s16 =	simm.s32 $0x40;
	s24 =	sadd.s32 s21, s19;
	s14 =	sadd.s32 s23, s13;
	[tilespmem:s22+$0x0] =	vst.add.f32.msk $0xffff, v3  }
0x127: {  	s19 =	sadd.s32 s21, s20;
	s15 =	sand.u32 $0x40, s16;
	s16 =	sadd.s32 s23, s11;
	[tilespmem:s24+$0x0] =	vst.add.f32.msk $0xffff, v3  }
.LBB2_10:
0x128: {  	p0 =	sne.s32 s17, $0x3C0  }
0x129: {  	s12 =	sadd.s32 s15, s16;
	[tilespmem:s19+$0x0] =	vst.add.f32.msk $0xffff, v3;
	s19 =	smov.u32 s17;
	s17 =	sadd.s32 $0x40, s17  }
0x12a: {  	v3 =	vld [tilespmem:s12+$0x0];
	_ =	sdelay $0x3  }
0x12b: {  	s22 =	sadd.s32 $0x80, s14;
	s12 =	sadd.s32 s15, s14  }
0x12c: {  	s21 =	sadd.s32 $0x100, s14;
	[tilespmem:s12+$0x0] =	vst.add.f32.msk $0xffff, v3;
	s12 =	sadd.s32 s15, s22  }
0x12d: {  	s20 =	sadd.s32 $0x180, s14;
	[tilespmem:s12+$0x0] =	vst.add.f32.msk $0xffff, v3;
	s12 =	sadd.s32 s15, s21  }
0x12e: {  	s23 =	sor.u32 $0x10, s15;
	[tilespmem:s12+$0x0] =	vst.add.f32.msk $0xffff, v3;
	s12 =	sadd.s32 s15, s20  }
0x12f: {  	[tilespmem:s12+$0x0] =	vst.add.f32.msk $0xffff, v3;
	s12 =	sadd.s32 s23, s16  }
0x130: {  	v3 =	vld [tilespmem:s12+$0x0];
	_ =	sdelay $0x3  }
0x131: {  	s12 =	sadd.s32 s23, s14  }
0x132: {  	[tilespmem:s12+$0x0] =	vst.add.f32.msk $0xffff, v3;
	s12 =	sadd.s32 s23, s22  }
0x133: {  	[tilespmem:s12+$0x0] =	vst.add.f32.msk $0xffff, v3;
	s12 =	sadd.s32 s23, s21  }
0x134: {  	[tilespmem:s12+$0x0] =	vst.add.f32.msk $0xffff, v3;
	s12 =	sadd.s32 s23, s20;
	s23 =	sor.u32 $0x20, s15  }
0x135: {  	[tilespmem:s12+$0x0] =	vst.add.f32.msk $0xffff, v3;
	s12 =	sadd.s32 s23, s16  }
0x136: {  	v3 =	vld [tilespmem:s12+$0x0];
	_ =	sdelay $0x3  }
0x137: {  	s12 =	sadd.s32 s23, s14  }
0x138: {  	[tilespmem:s12+$0x0] =	vst.add.f32.msk $0xffff, v3;
	s12 =	sadd.s32 s23, s22  }
0x139: {  	[tilespmem:s12+$0x0] =	vst.add.f32.msk $0xffff, v3;
	s12 =	sadd.s32 s23, s21  }
0x13a: {  	[tilespmem:s12+$0x0] =	vst.add.f32.msk $0xffff, v3;
	s12 =	sadd.s32 s23, s20;
	s23 =	sor.u32 $0x30, s15  }
0x13b: {  	[tilespmem:s12+$0x0] =	vst.add.f32.msk $0xffff, v3;
	s12 =	sadd.s32 s23, s16  }
0x13c: {  	v3 =	vld [tilespmem:s12+$0x0];
	_ =	sdelay $0x2  }
.Ltmp3:
0x13d: {  	(pc) =	sbr.rel @p0 .LBB2_10-.Ltmp3, $4  }
0x13e: {  	s12 =	sadd.s32 s23, s14  }
0x13f: {  	s18 =	sadd.s32 $0x200, s18;
	[tilespmem:s12+$0x0] =	vst.add.f32.msk $0xffff, v3;
	s12 =	sadd.s32 s23, s22  }
0x140: {  	s15 =	sand.u32 $0x40, s19;
	s14 =	sand.u32 $0x1C00, s18;
	[tilespmem:s12+$0x0] =	vst.add.f32.msk $0xffff, v3;
	s12 =	sadd.s32 s23, s21  }
0x141: {  	s19 =	sadd.s32 s23, s20;
	s16 =	sadd.s32 s14, s11;
	s14 =	sadd.s32 s14, s13;
	[tilespmem:s12+$0x0] =	vst.add.f32.msk $0xffff, v3  }
0x142: {  	s11 =	sadd.s32 s15, s16;
	[tilespmem:s19+$0x0] =	vst.add.f32.msk $0xffff, v3  }
0x143: {  	v3 =	vld [tilespmem:s11+$0x0];
	_ =	sdelay $0x3  }
0x144: {  	s17 =	sadd.s32 s15, s14;
	s12 =	sadd.s32 $0x80, s14  }
0x145: {  	s13 =	sadd.s32 $0x100, s14;
	s18 =	sadd.s32 s15, s12;
	[tilespmem:s17+$0x0] =	vst.add.f32.msk $0xffff, v3  }
0x146: {  	s19 =	sadd.s32 s15, s13;
	s17 =	sadd.s32 $0x180, s14;
	[tilespmem:s18+$0x0] =	vst.add.f32.msk $0xffff, v3  }
0x147: {  	s20 =	sadd.s32 s15, s17;
	s18 =	sor.u32 $0x10, s15;
	[tilespmem:s19+$0x0] =	vst.add.f32.msk $0xffff, v3  }
0x148: {  	s21 =	sadd.s32 s18, s16;
	[tilespmem:s20+$0x0] =	vst.add.f32.msk $0xffff, v3  }
0x149: {  	v3 =	vld [tilespmem:s21+$0x0];
	_ =	sdelay $0x3  }
0x14a: {  	s22 =	sadd.s32 s18, s14  }
0x14b: {  	s23 =	sadd.s32 s18, s12;
	[tilespmem:s22+$0x0] =	vst.add.f32.msk $0xffff, v3  }
0x14c: {  	s24 =	sadd.s32 s18, s13;
	[tilespmem:s23+$0x0] =	vst.add.f32.msk $0xffff, v3  }
0x14d: {  	s19 =	sadd.s32 s18, s17;
	s20 =	sor.u32 $0x20, s15;
	[tilespmem:s24+$0x0] =	vst.add.f32.msk $0xffff, v3  }
0x14e: {  	s21 =	sadd.s32 s20, s16;
	[tilespmem:s19+$0x0] =	vst.add.f32.msk $0xffff, v3  }
0x14f: {  	v3 =	vld [tilespmem:s21+$0x0];
	_ =	sdelay $0x3  }
0x150: {  	s22 =	sadd.s32 s20, s14  }
0x151: {  	s23 =	sadd.s32 s20, s12;
	[tilespmem:s22+$0x0] =	vst.add.f32.msk $0xffff, v3  }
0x152: {  	s24 =	sadd.s32 s20, s13;
	[tilespmem:s23+$0x0] =	vst.add.f32.msk $0xffff, v3  }
0x153: {  	s18 =	sadd.s32 s20, s17;
	s19 =	sor.u32 $0x30, s15;
	[tilespmem:s24+$0x0] =	vst.add.f32.msk $0xffff, v3  }
0x154: {  	s20 =	sadd.s32 s19, s16;
	[tilespmem:s18+$0x0] =	vst.add.f32.msk $0xffff, v3  }
0x155: {  	v3 =	vld [tilespmem:s20+$0x0];
	_ =	sdelay $0x1  }
0x156: {  	s10 =	sadd.s32 $0x1, s10  }
0x157: {  	p0 =	sne.s32 s10, $0x8  }
.Ltmp4:
0x158: {  	s21 =	sadd.s32 s19, s14;
	(pc) =	sbr.rel @p0 .LBB2_9-.Ltmp4, $4  }
0x159: {  	s22 =	sadd.s32 s19, s12;
	[tilespmem:s21+$0x0] =	vst.add.f32.msk $0xffff, v3  }
0x15a: {  	s23 =	sadd.s32 s19, s13;
	[tilespmem:s22+$0x0] =	vst.add.f32.msk $0xffff, v3  }
0x15b: {  	s24 =	sadd.s32 s19, s17;
	[tilespmem:s23+$0x0] =	vst.add.f32.msk $0xffff, v3  }
0x15c: {  	[tilespmem:s24+$0x0] =	vst.add.f32.msk $0xffff, v3  }
0x15d: {  	s29 =	sadd.s32 $0x1, s29  }
0x15e: {  	p0 =	sne.s32 s29, $0x4  }
.Ltmp5:
0x15f: {  	_ = 	snop;
	(pc) =	sbr.rel @p0 .LBB2_2-.Ltmp5, $4  }
0x160: {  	_ = 	snop  }
0x161: {  	s2 =	sshll.u32 s2, $0xC  }
0x162: {  	s2 =	sadd.s32 s2, s9  }
0x163: {  	[hbm4b:s2+s3] =	stream.linear.scatter [tilespmem:s0], [sflag:$0x6], $0x8000, $0x38;
	[tilespmem:$0x14400] =	vst v63  }
0x164: {  	_ =	swait.ge [sflag:s28], $0x8000  }
0x165: {  	[sflag:s28] =	ssyncset.done $0x0  }
0x166: {  	s4 =	simm.s32 $0x6;
	[sflag:s28] =	ssyncadd.s32 $0xFFFF8000  }
0x167: {  	_ =	swait.ge [sflag:s4], $0x8000  }
0x168: {  	s10 =	rddreg [dreg:$0x6]  }
0x169: {  	s2 =	rddreg [dreg:$0x5];
	s10 =	sadd.s32 $0x1, s10  }
0x16a: {  	p0 =	sne.s32 s10, s2  }
.Ltmp6:
0x16b: {  	_ = 	snop;
	(pc) =	sbr.rel @p0 .LBB2_1-.Ltmp6, $3  }
0x16c: {  	_ =	sdelay $0x1  }
0x16d: {  	[sflag:s4] =	ssyncset.done $0x0  }
0x16e: {  	[sflag:s4] =	ssyncadd.s32 $0xFFFF8000  }
0x16f: {  	_ =	sfence.sel $0x180000  }
0x170: {  	[bflag:$0x0] =	sbarrier.arrive $0xFFFF  }
0x171: {  	_ =	strace $0x90000047  }
0x172: {  	s0 =	stileid.u32;
	[bflag:$0x2] =	sbarrier.arrive $0xFFFF  }
0x173: {  	p0 =	sne.s32 s0, $0x0;
	s0 =	rddreg [dreg:$0x3]  }
0x174: {  	s0 =	sadd.s32 @!p0 $0x100000, s0  }
0x175: {  	[sflag:s0] =	ssyncadd.tile.s32 @!p0 $0x1;
	_ =	shalt  }
.Lfunc_end2:
_tile_overlayer_lowered:
.L_overlay_start_2:
0x176: {  	(tag) =	ssettag $0x2  }
0x177: {  	s0 =	rddreg [dreg:$0x0];
	s2 =	stileid.u32  }
0x178: {  	s1 =	rddreg [dreg:$0x1];
	p0 =	sne.s32 s2, $0x0  }
0x179: {  	s3 =	rddreg [dreg:$0x2];
	[bflag:$0x3] =	sbarrier.arrive $0xFFFF;
	s2 =	simm.s32 @!p0 $0x1C07  }
0x17a: {  	[timem:s3], [sflag:s2] =	dma.local @!p0 [hbm:s0], s1  }
0x17b: {  	s0 =	simm.s32 @!p0 $0x7  }
0x17c: {  	_ =	swait.ge @!p0 [sflag:s0], s1  }
0x17d: {  	s1 =	ssub.s32 @!p0 $0x0, s1;
	[sflag:s0] =	ssyncset.done @!p0 $0x0  }
0x17e: {  	[sflag:s0] =	ssyncadd.s32 @!p0 s1  }
0x17f: {  	[bflag:$0x3] =	sbarrier.arrive $0xFFFF  }
0x180: {  	_ =	shalt  }

</sc_bundles>
